<compile_context>
chip_gen: v7x
topology: tpu7x:2x2x1
jax: 0.10.2.dev20260603
libtpu: 0.0.44.dev20260713+nightly
codegen_flags: <defaults>
</compile_context>

<pallas_src>
import functools

import jax
import jax.numpy as jnp
from jax import lax
from jax.experimental import pallas as pl
from jax.experimental.pallas import tpu as pltpu
from jax.experimental.pallas import tpu_sc as plsc

D = 128
DH = 64
L = 16
NC = 2
NS = 16
NW = NC * NS
N_PAD = 10240
ROWS_PER_TILE = N_PAD // NS
DEG_ROWS = N_PAD // L
K_E = 128
K_B = 80
B_PAD = 10240
CB = B_PAD // (NW * K_B)
MB = 1000

_mesh = plsc.VectorSubcoreMesh(core_axis_name="c", subcore_axis_name="s")
_sc_params = pltpu.CompilerParams(use_tc_tiling_on_sc=False,
                                  needs_layout_passes=False)


def _edge_kernel(src_hbm, dst_hbm, featS, zsum_hbm, zdeg_hbm, iota_hbm,
                 sum_out, deg_out,
                 src_v, dst_v, rows0, rows1,
                 degl_v, degf_v, iota_v,
                 acc_sp, deg_sp, g0, g1):
    c = lax.axis_index("c")
    s = lax.axis_index("s")
    rows = pl.ds(s * ROWS_PER_TILE, ROWS_PER_TILE)
    rows_out = pl.ds(c * N_PAD + s * ROWS_PER_TILE, ROWS_PER_TILE)
    drows = pl.ds(s * (DEG_ROWS // NS), DEG_ROWS // NS)
    pltpu.sync_copy(zsum_hbm.at[rows], acc_sp.at[rows])
    pltpu.sync_copy(zdeg_hbm.at[drows], deg_sp.at[drows])
    pltpu.sync_copy(zdeg_hbm, degl_v)
    pltpu.sync_copy(src_hbm.at[c, s], src_v)
    pltpu.sync_copy(dst_hbm.at[s], dst_v)
    pltpu.sync_copy(iota_hbm, iota_v)
    plsc.subcore_barrier()

    n_chunks = src_v.shape[0]
    bufs = [rows0, rows1]
    gsem = [g0, g1]
    ones16 = jnp.full((L,), 1.0, jnp.float32)

    def deg_chunk(j):
        def dseg(k, carry):
            dvec = dst_v[j, pl.ds(k * L, L)]
            plsc.addupdate_scatter(
                degl_v, [lax.shift_right_logical(dvec, 4), dvec & 15], ones16)
            return carry

        lax.fori_loop(0, K_E // L, dseg, 0)

    def start_g(j, b):
        pltpu.async_copy(featS.at[src_v.at[j]], bufs[b], gsem[b])

    def wait_g(b):
        pltpu.make_async_copy(featS.at[src_v.at[0]], bufs[b], gsem[b]).wait()

    start_g(0, 0)

    def pair(j2, carry):
        j0 = 2 * j2
        j1 = j0 + 1
        start_g(j1, 1)
        wait_g(0)
        pltpu.sync_copy(rows0, acc_sp.at[dst_v.at[j0]], add=True)
        deg_chunk(j0)
        start_g(jnp.minimum(j0 + 2, n_chunks - 1), 0)
        wait_g(1)
        pltpu.sync_copy(rows1, acc_sp.at[dst_v.at[j1]], add=True)
        deg_chunk(j1)
        return carry

    lax.fori_loop(0, n_chunks // 2, pair, 0)
    wait_g(0)

    def dmerge(r, carry):
        pltpu.sync_copy(degl_v.at[pl.ds(r * 128, 128)],
                        deg_sp.at[iota_v.at[r]], add=True)
        return carry

    lax.fori_loop(0, DEG_ROWS // 128, dmerge, 0)
    plsc.subcore_barrier()

    pltpu.sync_copy(acc_sp.at[rows], sum_out.at[rows_out])
    pltpu.sync_copy(deg_sp.at[drows], degf_v)

    def dexp(n, carry):
        val = plsc.load_gather(
            degf_v, [jnp.full((L,), n // L, jnp.int32),
                     jnp.full((L,), n % L, jnp.int32)])
        degl_v[n, :] = val
        return carry

    lax.fori_loop(0, ROWS_PER_TILE, dexp, 0)
    pltpu.sync_copy(degl_v.at[pl.ds(0, ROWS_PER_TILE)],
                    deg_out.at[pl.ds(s * ROWS_PER_TILE, ROWS_PER_TILE)])


def _combine_kernel(nodes_hbm, feat_hbm, sum_hbm, dg_hbm,
                    self_out, neigh_out,
                    nodes_v, idx2_v, sf_v, pa_v, pb_v, d_v, nout_v, sem):
    c = lax.axis_index("c")
    s = lax.axis_index("s")
    wid = s * NC + c
    pltpu.sync_copy(nodes_hbm.at[wid], nodes_v)
    base = wid * (CB * K_B)

    def chunk(j, carry):
        idx = nodes_v.at[j]

        def shift(kk, carry2):
            sl = pl.ds(kk * L, L)
            idx2_v[sl] = nodes_v[j, sl] + N_PAD
            return carry2

        lax.fori_loop(0, K_B // L, shift, 0)

        cps = [
            pltpu.async_copy(feat_hbm.at[idx], sf_v, sem),
            pltpu.async_copy(sum_hbm.at[idx], pa_v, sem),
            pltpu.async_copy(sum_hbm.at[idx2_v], pb_v, sem),
            pltpu.async_copy(dg_hbm.at[idx], d_v, sem),
        ]
        for cp in cps:
            cp.wait()

        def row(i, carry2):
            inv = 1.0 / jnp.maximum(d_v[i, :], 1.0)

            def seg(k, carry3):
                sl = pl.ds(k * L, L)
                nout_v[i, sl] = pa_v[i, sl] * inv
                nout_v[i, pl.ds(DH + k * L, L)] = pb_v[i, sl] * inv
                return carry3

            lax.fori_loop(0, DH // L, seg, 0)
            return carry2

        lax.fori_loop(0, K_B, row, 0)
        dst = pl.ds(base + j * K_B, K_B)
        pltpu.sync_copy(sf_v, self_out.at[dst])
        pltpu.sync_copy(nout_v, neigh_out.at[dst])
        return carry

    lax.fori_loop(0, CB, chunk, 0)


def _mlp_kernel(s_ref, n_ref, w_ref, b_ref, o_ref):
    xs = s_ref[...]
    xn = n_ref[...]
    w = w_ref[...]
    acc = lax.dot_general(xs, w[:, :D], (((1,), (1,)), ((), ())),
                          preferred_element_type=jnp.float32)
    acc += lax.dot_general(xn, w[:, D:], (((1,), (1,)), ((), ())),
                           preferred_element_type=jnp.float32)
    o_ref[...] = jnp.maximum(acc + b_ref[...], 0.0)


def _build_edge_kernel(ch2):
    f32 = jnp.float32
    i32 = jnp.int32
    return pl.kernel(
        _edge_kernel,
        out_type=[
            jax.ShapeDtypeStruct((2 * N_PAD, DH), f32),
            jax.ShapeDtypeStruct((N_PAD, 16), f32),
        ],
        mesh=_mesh,
        scratch_types=[
            pltpu.VMEM((ch2, K_E), i32),
            pltpu.VMEM((ch2, K_E), i32),
            pltpu.VMEM((K_E, DH), f32),
            pltpu.VMEM((K_E, DH), f32),
            pltpu.VMEM((DEG_ROWS, L), f32),
            pltpu.VMEM((DEG_ROWS // NS, L), f32),
            pltpu.VMEM((DEG_ROWS // 128, 128), i32),
            pltpu.VMEM_SHARED((N_PAD, DH), f32),
            pltpu.VMEM_SHARED((DEG_ROWS, L), f32),
            pltpu.SemaphoreType.DMA,
            pltpu.SemaphoreType.DMA,
        ],
        compiler_params=_sc_params,
    )


def _build_combine_kernel():
    f32 = jnp.float32
    return pl.kernel(
        _combine_kernel,
        out_type=[
            jax.ShapeDtypeStruct((B_PAD, D), f32),
            jax.ShapeDtypeStruct((B_PAD, D), f32),
        ],
        mesh=_mesh,
        scratch_types=[
            pltpu.VMEM((CB, K_B), jnp.int32),
            pltpu.VMEM((K_B,), jnp.int32),
            pltpu.VMEM((K_B, D), f32),
            pltpu.VMEM((K_B, DH), f32),
            pltpu.VMEM((K_B, DH), f32),
            pltpu.VMEM((K_B, 16), f32),
            pltpu.VMEM((K_B, D), f32),
            pltpu.SemaphoreType.DMA,
        ],
        compiler_params=_sc_params,
    )


def kernel(nodes, edge_index, features, W1, b1):
    E = edge_index.shape[1]
    B = nodes.shape[0]
    N = features.shape[0]
    f32 = jnp.float32
    i32 = jnp.int32

    e_per_tile = E // NS
    ch2 = -(-e_per_tile // (2 * K_E)) * 2
    e_pad = ch2 * K_E - e_per_tile

    src_t = jnp.pad(edge_index[0].astype(i32).reshape(NS, e_per_tile),
                    ((0, 0), (0, e_pad))).reshape(NS, ch2, K_E)
    pad_dst = (N + jnp.arange(e_pad, dtype=i32) % (N_PAD - N))[None, :]
    dst_t = jnp.concatenate(
        [edge_index[1].astype(i32).reshape(NS, e_per_tile),
         jnp.broadcast_to(pad_dst, (NS, e_pad))], axis=1).reshape(NS, ch2, K_E)
    src_both = jnp.stack([src_t, src_t + N])
    featS = jnp.concatenate([features[:, :DH], features[:, DH:]], axis=0)
    nodes_r = jnp.pad(nodes.astype(i32), (0, B_PAD - B)).reshape(NW, CB, K_B)
    zsum = jnp.zeros((N_PAD, DH), f32)
    zdeg = jnp.zeros((DEG_ROWS, L), f32)
    iota = jnp.arange(DEG_ROWS, dtype=i32).reshape(DEG_ROWS // 128, 128)

    sum_out, deg_out = _build_edge_kernel(ch2)(
        src_both, dst_t, featS, zsum, zdeg, iota)

    self_f, neigh_f = _build_combine_kernel()(
        nodes_r, features, sum_out, deg_out)

    out = pl.pallas_call(
        _mlp_kernel,
        grid=(B // MB,),
        in_specs=[
            pl.BlockSpec((MB, D), lambda i: (i, 0)),
            pl.BlockSpec((MB, D), lambda i: (i, 0)),
            pl.BlockSpec((D, 2 * D), lambda i: (0, 0)),
            pl.BlockSpec((1, D), lambda i: (0, 0)),
        ],
        out_specs=pl.BlockSpec((MB, D), lambda i: (i, 0)),
        out_shape=jax.ShapeDtypeStruct((B, D), f32),
    )(self_f, neigh_f, W1, b1.reshape(1, D))

    return out

# --- scband reference (transcript-rebuilt; emitter-appended) ---
"""Pipeline reference for scband-social-encoder-59983513255938 (READ-ONLY COPY).

The authoritative reference and input builder live on the scoring server;
editing this copy changes nothing except your own understanding.
"""

import jax, jax.numpy as jnp
import numpy as np

N_NODES = 10000
N_EDGES = 320000
EMBED_DIM = 128
BATCH = 10000


def setup_inputs(seed: int = 0) -> dict:
    key = jax.random.key(seed)
    k_nodes, k_edge, k_feat, k_w, k_b = jax.random.split(key, 5)
    nodes = jax.random.randint(k_nodes, (BATCH,), 0, N_NODES, dtype=jnp.int64 if jax.config.read('jax_enable_x64') else jnp.int32)
    edge_index = jax.random.randint(k_edge, (2, N_EDGES), 0, N_NODES, dtype=jnp.int64 if jax.config.read('jax_enable_x64') else jnp.int32)
    features = jax.random.normal(k_feat, (N_NODES, EMBED_DIM), dtype=jnp.float32)
    W1 = jax.random.normal(k_w, (EMBED_DIM, 2 * EMBED_DIM), dtype=jnp.float32) * 0.05
    b1 = jax.random.normal(k_b, (EMBED_DIM,), dtype=jnp.float32) * 0.05
    return {"nodes": nodes, "edge_index": edge_index, "features": features, "W1": W1, "b1": b1}


def reference(nodes, edge_index, features, W1, b1):
    # The original module queries a graph DB for each node's followed neighbors,
    # then runs an aggregator (mean over neighbor embeddings in GraphRec's
    # Social_Aggregator) and combines with self embeddings through a linear+ReLU.
    # Here the social adjacency is materialized as edge_index[2, E] with
    # (src -> dst) meaning dst follows src (src is a neighbor of dst).
    src = edge_index[0]
    dst = edge_index[1]
    # mean aggregation of neighbor features per node (SparseCore: gather + scatter-add)
    gathered = jnp.take(features, src, axis=0)                       # [E, D] gather
    neigh_sum = jax.ops.segment_sum(gathered, dst, num_segments=N_NODES)   # [N, D] scatter-add
    deg = jax.ops.segment_sum(jnp.ones((src.shape[0],), dtype=jnp.float32), dst, num_segments=N_NODES)
    neigh_mean = neigh_sum / jnp.clip(deg, 1.0, None)[:, None]
    neigh_feats = jnp.take(neigh_mean, nodes, axis=0)                # [B, D] gather
    # self_feats = self.features(nodes).t() -> [B, D] node embeddings
    self_feats = jnp.take(features, nodes, axis=0)                   # [B, D] gather
    combined = jnp.concatenate([self_feats, neigh_feats], axis=1)    # [B, 2D]
    out = jax.nn.relu(combined @ W1.T + b1)                          # [B, D]
    return out

if __name__ == "__main__":
    import jax
    _d = setup_inputs()
    print(jax.jit(kernel)(*tuple(_d.values())))

</pallas_src>

<mosaic_0001>
#map = affine_map<(d0, d1) -> (0, 0, 0, 0)>
#map1 = affine_map<(d0, d1) -> (0, 0, 0)>
#map2 = affine_map<(d0, d1) -> (0, 0)>
module attributes {stable_mosaic.version = 14 : i64} {
  func.func @_edge_kernel(%arg0: i32, %arg1: i32, %arg2: memref<2x16x158x128xi32, #tpu.memory_space<hbm>>, %arg3: memref<16x158x128xi32, #tpu.memory_space<hbm>>, %arg4: memref<20000x64xf32, #tpu.memory_space<hbm>>, %arg5: memref<10240x64xf32, #tpu.memory_space<hbm>>, %arg6: memref<640x16xf32, #tpu.memory_space<hbm>>, %arg7: memref<5x128xi32, #tpu.memory_space<hbm>>, %arg8: memref<20480x64xf32, #tpu.memory_space<hbm>>, %arg9: memref<10240x16xf32, #tpu.memory_space<hbm>>, %arg10: memref<158x128xi32, #tpu.memory_space<vmem>>, %arg11: memref<158x128xi32, #tpu.memory_space<vmem>>, %arg12: memref<128x64xf32, #tpu.memory_space<vmem>>, %arg13: memref<128x64xf32, #tpu.memory_space<vmem>>, %arg14: memref<640x16xf32, #tpu.memory_space<vmem>>, %arg15: memref<40x16xf32, #tpu.memory_space<vmem>>, %arg16: memref<5x128xi32, #tpu.memory_space<vmem>>, %arg17: memref<10240x64xf32, #tpu.memory_space<vmem_shared>>, %arg18: memref<640x16xf32, #tpu.memory_space<vmem_shared>>, %arg19: memref<!tpu.dma_semaphore, #tpu.memory_space<semaphore_mem>>, %arg20: memref<!tpu.dma_semaphore, #tpu.memory_space<semaphore_mem>>) attributes {dimension_semantics = [#tpu.dimension_semantics<core_parallel>, #tpu.dimension_semantics<subcore_parallel>], iteration_bounds = array<i64: 2, 16>, scalar_prefetch = 0 : i64, scratch_operands = 11 : i64, tpu.core_type = #tpu.core_type<sc_vector_subcore>, window_params = [{transform_indices = #map}, {transform_indices = #map1}, {transform_indices = #map2}, {transform_indices = #map2}, {transform_indices = #map2}, {transform_indices = #map2}, {transform_indices = #map2}, {transform_indices = #map2}]} {
    %mul3A = arith.constant 640 : i32
    %mul3A_0 = arith.muli %arg1, %mul3A : i32
    %mul3A_1 = arith.constant 10240 : i32
    %mul3A_2 = arith.muli %arg0, %mul3A_1 : i32
    %mul3A_3 = arith.constant 640 : i32
    %mul3A_4 = arith.muli %arg1, %mul3A_3 : i32
    %add3A = arith.addi %mul3A_2, %mul3A_4 : i32
    %mul3A_5 = arith.constant 40 : i32
    %mul3A_6 = arith.muli %arg1, %mul3A_5 : i32
    "tpu.region"() ({
      %run_scoped3A = tpu.sem_alloc : memref<!tpu.dma_semaphore, #tpu.memory_space<semaphore_mem>>
      %dma_start3A_40 = arith.constant 0 : i32
      %dma_start3A_41 = tpu.memref_slice %arg17[%mul3A_0, %dma_start3A_40] : memref<10240x64xf32, #tpu.memory_space<vmem_shared>> -> memref<640x64xf32, #tpu.memory_space<vmem_shared>>
      %dma_start3A_42 = arith.constant 0 : i32
      %dma_start3A_43 = tpu.memref_slice %arg5[%mul3A_0, %dma_start3A_42] : memref<10240x64xf32, #tpu.memory_space<hbm>> -> memref<640x64xf32, #tpu.memory_space<hbm>>
      tpu.enqueue_dma source(%dma_start3A_43 : memref<640x64xf32, #tpu.memory_space<hbm>>) target(%dma_start3A_41 : memref<640x64xf32, #tpu.memory_space<vmem_shared>>) target_semaphore(%run_scoped3A : memref<!tpu.dma_semaphore, #tpu.memory_space<semaphore_mem>>)
      %dma_wait3A_44 = arith.constant 0 : i32
      %dma_wait3A_45 = tpu.memref_slice %arg17[%mul3A_0, %dma_wait3A_44] : memref<10240x64xf32, #tpu.memory_space<vmem_shared>> -> memref<640x64xf32, #tpu.memory_space<vmem_shared>>
      %dma_wait3A_46 = arith.constant 0 : i32
      %dma_wait3A_47 = tpu.memref_slice %arg5[%mul3A_0, %dma_wait3A_46] : memref<10240x64xf32, #tpu.memory_space<hbm>> -> memref<640x64xf32, #tpu.memory_space<hbm>>
      tpu.wait_dma2 semaphore(%run_scoped3A : memref<!tpu.dma_semaphore, #tpu.memory_space<semaphore_mem>>) src(%dma_wait3A_47 : memref<640x64xf32, #tpu.memory_space<hbm>>) dst(%dma_wait3A_45 : memref<640x64xf32, #tpu.memory_space<vmem_shared>>)
      tpu.yield
    }) : () -> ()
    "tpu.region"() ({
      %run_scoped3A = tpu.sem_alloc : memref<!tpu.dma_semaphore, #tpu.memory_space<semaphore_mem>>
      %dma_start3A_40 = arith.constant 0 : i32
      %dma_start3A_41 = tpu.memref_slice %arg18[%mul3A_6, %dma_start3A_40] : memref<640x16xf32, #tpu.memory_space<vmem_shared>> -> memref<40x16xf32, #tpu.memory_space<vmem_shared>>
      %dma_start3A_42 = arith.constant 0 : i32
      %dma_start3A_43 = tpu.memref_slice %arg6[%mul3A_6, %dma_start3A_42] : memref<640x16xf32, #tpu.memory_space<hbm>> -> memref<40x16xf32, #tpu.memory_space<hbm>>
      tpu.enqueue_dma source(%dma_start3A_43 : memref<40x16xf32, #tpu.memory_space<hbm>>) target(%dma_start3A_41 : memref<40x16xf32, #tpu.memory_space<vmem_shared>>) target_semaphore(%run_scoped3A : memref<!tpu.dma_semaphore, #tpu.memory_space<semaphore_mem>>)
      %dma_wait3A_44 = arith.constant 0 : i32
      %dma_wait3A_45 = tpu.memref_slice %arg18[%mul3A_6, %dma_wait3A_44] : memref<640x16xf32, #tpu.memory_space<vmem_shared>> -> memref<40x16xf32, #tpu.memory_space<vmem_shared>>
      %dma_wait3A_46 = arith.constant 0 : i32
      %dma_wait3A_47 = tpu.memref_slice %arg6[%mul3A_6, %dma_wait3A_46] : memref<640x16xf32, #tpu.memory_space<hbm>> -> memref<40x16xf32, #tpu.memory_space<hbm>>
      tpu.wait_dma2 semaphore(%run_scoped3A : memref<!tpu.dma_semaphore, #tpu.memory_space<semaphore_mem>>) src(%dma_wait3A_47 : memref<40x16xf32, #tpu.memory_space<hbm>>) dst(%dma_wait3A_45 : memref<40x16xf32, #tpu.memory_space<vmem_shared>>)
      tpu.yield
    }) : () -> ()
    "tpu.region"() ({
      %run_scoped3A = tpu.sem_alloc : memref<!tpu.dma_semaphore, #tpu.memory_space<semaphore_mem>>
      tpu.enqueue_dma source(%arg6 : memref<640x16xf32, #tpu.memory_space<hbm>>) target(%arg14 : memref<640x16xf32, #tpu.memory_space<vmem>>) target_semaphore(%run_scoped3A : memref<!tpu.dma_semaphore, #tpu.memory_space<semaphore_mem>>)
      tpu.wait_dma2 semaphore(%run_scoped3A : memref<!tpu.dma_semaphore, #tpu.memory_space<semaphore_mem>>) src(%arg6 : memref<640x16xf32, #tpu.memory_space<hbm>>) dst(%arg14 : memref<640x16xf32, #tpu.memory_space<vmem>>)
      tpu.yield
    }) : () -> ()
    "tpu.region"() ({
      %run_scoped3A = tpu.sem_alloc : memref<!tpu.dma_semaphore, #tpu.memory_space<semaphore_mem>>
      %dma_start3A_40 = arith.constant 0 : i32
      %dma_start3A_41 = arith.constant 0 : i32
      %dma_start3A_42 = tpu.memref_slice %arg2[%arg0, %arg1, %dma_start3A_40, %dma_start3A_41] : memref<2x16x158x128xi32, #tpu.memory_space<hbm>> -> memref<1x1x158x128xi32, #tpu.memory_space<hbm>>
      %dma_start3A_43 = tpu.memref_squeeze %dma_start3A_42 : memref<1x1x158x128xi32, #tpu.memory_space<hbm>> -> memref<158x128xi32, #tpu.memory_space<hbm>>
      %dma_start3A_44 = arith.constant 0 : i32
      %dma_start3A_45 = arith.constant 0 : i32
      %dma_start3A_46 = tpu.memref_slice %arg2[%arg0, %arg1, %dma_start3A_44, %dma_start3A_45] : memref<2x16x158x128xi32, #tpu.memory_space<hbm>> -> memref<1x1x158x128xi32, #tpu.memory_space<hbm>>
      %dma_start3A_47 = tpu.memref_squeeze %dma_start3A_46 : memref<1x1x158x128xi32, #tpu.memory_space<hbm>> -> memref<158x128xi32, #tpu.memory_space<hbm>>
      tpu.enqueue_dma source(%dma_start3A_47 : memref<158x128xi32, #tpu.memory_space<hbm>>) target(%arg10 : memref<158x128xi32, #tpu.memory_space<vmem>>) target_semaphore(%run_scoped3A : memref<!tpu.dma_semaphore, #tpu.memory_space<semaphore_mem>>)
      %dma_wait3A_48 = arith.constant 0 : i32
      %dma_wait3A_49 = arith.constant 0 : i32
      %dma_wait3A_50 = tpu.memref_slice %arg2[%arg0, %arg1, %dma_wait3A_48, %dma_wait3A_49] : memref<2x16x158x128xi32, #tpu.memory_space<hbm>> -> memref<1x1x158x128xi32, #tpu.memory_space<hbm>>
      %dma_wait3A_51 = tpu.memref_squeeze %dma_wait3A_50 : memref<1x1x158x128xi32, #tpu.memory_space<hbm>> -> memref<158x128xi32, #tpu.memory_space<hbm>>
      %dma_wait3A_52 = arith.constant 0 : i32
      %dma_wait3A_53 = arith.constant 0 : i32
      %dma_wait3A_54 = tpu.memref_slice %arg2[%arg0, %arg1, %dma_wait3A_52, %dma_wait3A_53] : memref<2x16x158x128xi32, #tpu.memory_space<hbm>> -> memref<1x1x158x128xi32, #tpu.memory_space<hbm>>
      %dma_wait3A_55 = tpu.memref_squeeze %dma_wait3A_54 : memref<1x1x158x128xi32, #tpu.memory_space<hbm>> -> memref<158x128xi32, #tpu.memory_space<hbm>>
      tpu.wait_dma2 semaphore(%run_scoped3A : memref<!tpu.dma_semaphore, #tpu.memory_space<semaphore_mem>>) src(%dma_wait3A_55 : memref<158x128xi32, #tpu.memory_space<hbm>>) dst(%arg10 : memref<158x128xi32, #tpu.memory_space<vmem>>)
      tpu.yield
    }) : () -> ()
    "tpu.region"() ({
      %run_scoped3A = tpu.sem_alloc : memref<!tpu.dma_semaphore, #tpu.memory_space<semaphore_mem>>
      %dma_start3A_40 = arith.constant 0 : i32
      %dma_start3A_41 = arith.constant 0 : i32
      %dma_start3A_42 = tpu.memref_slice %arg3[%arg1, %dma_start3A_40, %dma_start3A_41] : memref<16x158x128xi32, #tpu.memory_space<hbm>> -> memref<1x158x128xi32, #tpu.memory_space<hbm>>
      %dma_start3A_43 = tpu.memref_squeeze %dma_start3A_42 : memref<1x158x128xi32, #tpu.memory_space<hbm>> -> memref<158x128xi32, #tpu.memory_space<hbm>>
      %dma_start3A_44 = arith.constant 0 : i32
      %dma_start3A_45 = arith.constant 0 : i32
      %dma_start3A_46 = tpu.memref_slice %arg3[%arg1, %dma_start3A_44, %dma_start3A_45] : memref<16x158x128xi32, #tpu.memory_space<hbm>> -> memref<1x158x128xi32, #tpu.memory_space<hbm>>
      %dma_start3A_47 = tpu.memref_squeeze %dma_start3A_46 : memref<1x158x128xi32, #tpu.memory_space<hbm>> -> memref<158x128xi32, #tpu.memory_space<hbm>>
      tpu.enqueue_dma source(%dma_start3A_47 : memref<158x128xi32, #tpu.memory_space<hbm>>) target(%arg11 : memref<158x128xi32, #tpu.memory_space<vmem>>) target_semaphore(%run_scoped3A : memref<!tpu.dma_semaphore, #tpu.memory_space<semaphore_mem>>)
      %dma_wait3A_48 = arith.constant 0 : i32
      %dma_wait3A_49 = arith.constant 0 : i32
      %dma_wait3A_50 = tpu.memref_slice %arg3[%arg1, %dma_wait3A_48, %dma_wait3A_49] : memref<16x158x128xi32, #tpu.memory_space<hbm>> -> memref<1x158x128xi32, #tpu.memory_space<hbm>>
      %dma_wait3A_51 = tpu.memref_squeeze %dma_wait3A_50 : memref<1x158x128xi32, #tpu.memory_space<hbm>> -> memref<158x128xi32, #tpu.memory_space<hbm>>
      %dma_wait3A_52 = arith.constant 0 : i32
      %dma_wait3A_53 = arith.constant 0 : i32
      %dma_wait3A_54 = tpu.memref_slice %arg3[%arg1, %dma_wait3A_52, %dma_wait3A_53] : memref<16x158x128xi32, #tpu.memory_space<hbm>> -> memref<1x158x128xi32, #tpu.memory_space<hbm>>
      %dma_wait3A_55 = tpu.memref_squeeze %dma_wait3A_54 : memref<1x158x128xi32, #tpu.memory_space<hbm>> -> memref<158x128xi32, #tpu.memory_space<hbm>>
      tpu.wait_dma2 semaphore(%run_scoped3A : memref<!tpu.dma_semaphore, #tpu.memory_space<semaphore_mem>>) src(%dma_wait3A_55 : memref<158x128xi32, #tpu.memory_space<hbm>>) dst(%arg11 : memref<158x128xi32, #tpu.memory_space<vmem>>)
      tpu.yield
    }) : () -> ()
    "tpu.region"() ({
      %run_scoped3A = tpu.sem_alloc : memref<!tpu.dma_semaphore, #tpu.memory_space<semaphore_mem>>
      tpu.enqueue_dma source(%arg7 : memref<5x128xi32, #tpu.memory_space<hbm>>) target(%arg16 : memref<5x128xi32, #tpu.memory_space<vmem>>) target_semaphore(%run_scoped3A : memref<!tpu.dma_semaphore, #tpu.memory_space<semaphore_mem>>)
      tpu.wait_dma2 semaphore(%run_scoped3A : memref<!tpu.dma_semaphore, #tpu.memory_space<semaphore_mem>>) src(%arg7 : memref<5x128xi32, #tpu.memory_space<hbm>>) dst(%arg16 : memref<5x128xi32, #tpu.memory_space<vmem>>)
      tpu.yield
    }) : () -> ()
    %barrier3A = arith.constant 0 : index
    tpu.barrier barrier_id(%barrier3A)
    %broadcast_in_dim3A = arith.constant 1.000000e+00 : f32
    %broadcast_in_dim3A_7 = vector.broadcast %broadcast_in_dim3A : f32 to vector<16xf32>
    %dma_start3A = arith.constant 0 : i32
    %dma_start3A_8 = arith.constant 0 : i32
    %dma_start3A_9 = tpu.memref_slice %arg10[%dma_start3A, %dma_start3A_8] : memref<158x128xi32, #tpu.memory_space<vmem>> -> memref<1x128xi32, #tpu.memory_space<vmem>>
    %dma_start3A_10 = tpu.memref_squeeze %dma_start3A_9 : memref<1x128xi32, #tpu.memory_space<vmem>> -> memref<128xi32, #tpu.memory_space<vmem>>
    %dma_start3A_11 = arith.constant 0 : i32
    %dma_start3A_12 = arith.constant 0 : i32
    %dma_start3A_13 = tpu.memref_slice %arg4[%dma_start3A_11, %dma_start3A_12] : memref<20000x64xf32, #tpu.memory_space<hbm>> -> memref<20000x64xf32, #tpu.memory_space<hbm>>
    tpu.enqueue_indirect_dma source(%dma_start3A_13 : memref<20000x64xf32, #tpu.memory_space<hbm>>) target(%arg12 : memref<128x64xf32, #tpu.memory_space<vmem>>) offsets(%dma_start3A_10 : memref<128xi32, #tpu.memory_space<vmem>>) semaphore(%arg19 : memref<!tpu.dma_semaphore, #tpu.memory_space<semaphore_mem>>)
    %scan3A = arith.constant 0 : i32
    %scan3A_14 = arith.constant 0 : i32
    %scan3A_15 = arith.constant 79 : i32
    %scan3A_16 = arith.addi %scan3A_14, %scan3A_15 : i32
    %scan3A_17 = arith.constant 1 : i32
    scf.for %scan3A_40 = %scan3A_14 to %scan3A_16 step %scan3A_17  : i32 {
      %mul3A_41 = arith.constant 2 : i32
      %mul3A_42 = arith.muli %mul3A_41, %scan3A_40 : i32
      %add3A_43 = arith.constant 1 : i32
      %add3A_44 = arith.addi %mul3A_42, %add3A_43 : i32
      %dma_start3A_45 = arith.constant 0 : i32
      %dma_start3A_46 = tpu.memref_slice %arg10[%add3A_44, %dma_start3A_45] : memref<158x128xi32, #tpu.memory_space<vmem>> -> memref<1x128xi32, #tpu.memory_space<vmem>>
      %dma_start3A_47 = tpu.memref_squeeze %dma_start3A_46 : memref<1x128xi32, #tpu.memory_space<vmem>> -> memref<128xi32, #tpu.memory_space<vmem>>
      %dma_start3A_48 = arith.constant 0 : i32
      %dma_start3A_49 = arith.constant 0 : i32
      %dma_start3A_50 = tpu.memref_slice %arg4[%dma_start3A_48, %dma_start3A_49] : memref<20000x64xf32, #tpu.memory_space<hbm>> -> memref<20000x64xf32, #tpu.memory_space<hbm>>
      tpu.enqueue_indirect_dma source(%dma_start3A_50 : memref<20000x64xf32, #tpu.memory_space<hbm>>) target(%arg13 : memref<128x64xf32, #tpu.memory_space<vmem>>) offsets(%dma_start3A_47 : memref<128xi32, #tpu.memory_space<vmem>>) semaphore(%arg20 : memref<!tpu.dma_semaphore, #tpu.memory_space<semaphore_mem>>)
      %dma_wait3A_51 = arith.constant 0 : i32
      %dma_wait3A_52 = arith.constant 0 : i32
      %dma_wait3A_53 = tpu.memref_slice %arg10[%dma_wait3A_51, %dma_wait3A_52] : memref<158x128xi32, #tpu.memory_space<vmem>> -> memref<1x128xi32, #tpu.memory_space<vmem>>
      %dma_wait3A_54 = tpu.memref_squeeze %dma_wait3A_53 : memref<1x128xi32, #tpu.memory_space<vmem>> -> memref<128xi32, #tpu.memory_space<vmem>>
      %dma_wait3A_55 = arith.constant 0 : i32
      %dma_wait3A_56 = arith.constant 0 : i32
      %dma_wait3A_57 = tpu.memref_slice %arg4[%dma_wait3A_55, %dma_wait3A_56] : memref<20000x64xf32, #tpu.memory_space<hbm>> -> memref<20000x64xf32, #tpu.memory_space<hbm>>
      tpu.wait_indirect_dma semaphore(%arg19 : memref<!tpu.dma_semaphore, #tpu.memory_space<semaphore_mem>>) src(%dma_wait3A_57 : memref<20000x64xf32, #tpu.memory_space<hbm>>) dst(%arg12 : memref<128x64xf32, #tpu.memory_space<vmem>>)
      "tpu.region"() ({
        %run_scoped3A = tpu.sem_alloc : memref<!tpu.dma_semaphore, #tpu.memory_space<semaphore_mem>>
        %dma_start3A_86 = arith.constant 0 : i32
        %dma_start3A_87 = tpu.memref_slice %arg11[%mul3A_42, %dma_start3A_86] : memref<158x128xi32, #tpu.memory_space<vmem>> -> memref<1x128xi32, #tpu.memory_space<vmem>>
        %dma_start3A_88 = tpu.memref_squeeze %dma_start3A_87 : memref<1x128xi32, #tpu.memory_space<vmem>> -> memref<128xi32, #tpu.memory_space<vmem>>
        %dma_start3A_89 = arith.constant 0 : i32
        %dma_start3A_90 = arith.constant 0 : i32
        %dma_start3A_91 = tpu.memref_slice %arg17[%dma_start3A_89, %dma_start3A_90] : memref<10240x64xf32, #tpu.memory_space<vmem_shared>> -> memref<10240x64xf32, #tpu.memory_space<vmem_shared>>
        tpu.enqueue_indirect_dma source(%arg12 : memref<128x64xf32, #tpu.memory_space<vmem>>) target(%dma_start3A_91 : memref<10240x64xf32, #tpu.memory_space<vmem_shared>>) offsets(%dma_start3A_88 : memref<128xi32, #tpu.memory_space<vmem>>) semaphore(%run_scoped3A : memref<!tpu.dma_semaphore, #tpu.memory_space<semaphore_mem>>) {add = true}
        %dma_wait3A_92 = arith.constant 0 : i32
        %dma_wait3A_93 = tpu.memref_slice %arg11[%mul3A_42, %dma_wait3A_92] : memref<158x128xi32, #tpu.memory_space<vmem>> -> memref<1x128xi32, #tpu.memory_space<vmem>>
        %dma_wait3A_94 = tpu.memref_squeeze %dma_wait3A_93 : memref<1x128xi32, #tpu.memory_space<vmem>> -> memref<128xi32, #tpu.memory_space<vmem>>
        %dma_wait3A_95 = arith.constant 0 : i32
        %dma_wait3A_96 = arith.constant 0 : i32
        %dma_wait3A_97 = tpu.memref_slice %arg17[%dma_wait3A_95, %dma_wait3A_96] : memref<10240x64xf32, #tpu.memory_space<vmem_shared>> -> memref<10240x64xf32, #tpu.memory_space<vmem_shared>>
        tpu.wait_indirect_dma semaphore(%run_scoped3A : memref<!tpu.dma_semaphore, #tpu.memory_space<semaphore_mem>>) src(%arg12 : memref<128x64xf32, #tpu.memory_space<vmem>>) dst(%dma_wait3A_97 : memref<10240x64xf32, #tpu.memory_space<vmem_shared>>)
        tpu.yield
      }) : () -> ()
      %scan3A_58 = arith.constant 0 : i32
      %scan3A_59 = arith.constant 0 : i32
      %scan3A_60 = arith.constant 8 : i32
      %scan3A_61 = arith.addi %scan3A_59, %scan3A_60 : i32
      %scan3A_62 = arith.constant 1 : i32
      scf.for %scan3A_86 = %scan3A_59 to %scan3A_61 step %scan3A_62  : i32 {
        %mul3A_87 = arith.constant 16 : i32
        %mul3A_88 = arith.muli %scan3A_86, %mul3A_87 : i32
        %get3A = arith.index_cast %mul3A_42 : i32 to index
        %get3A_89 = arith.index_cast %mul3A_88 : i32 to index
        %get3A_90 = tpu.vector_load %arg11[%get3A, %get3A_89] {strides = array<i32>} : memref<158x128xi32, #tpu.memory_space<vmem>>, vector<16xi32>,
        %shift_right_logical3A = arith.constant 4 : i32
        %shift_right_logical3A_91 = vector.broadcast %shift_right_logical3A : i32 to vector<16xi32>
        %shift_right_logical3A_92 = arith.shrui %get3A_90, %shift_right_logical3A_91 : vector<16xi32>
        %and3A = arith.constant 15 : i32
        %and3A_93 = vector.broadcast %and3A : i32 to vector<16xi32>
        %and3A_94 = arith.andi %get3A_90, %and3A_93 : vector<16xi32>
        tpu.vector_store_idx %arg14[%shift_right_logical3A_92, %and3A_94], %broadcast_in_dim3A_7 {add = true} : memref<640x16xf32, #tpu.memory_space<vmem>>[vector<16xi32>, vector<16xi32>], vector<16xf32>,
      }
      %scan3A_63 = arith.constant 8 : i32
      %add3A_64 = arith.constant 2 : i32
      %add3A_65 = arith.addi %mul3A_42, %add3A_64 : i32
      %min3A = arith.constant 157 : i32
      %min3A_66 = arith.minsi %add3A_65, %min3A : i32
      %dma_start3A_67 = arith.constant 0 : i32
      %dma_start3A_68 = tpu.memref_slice %arg10[%min3A_66, %dma_start3A_67] : memref<158x128xi32, #tpu.memory_space<vmem>> -> memref<1x128xi32, #tpu.memory_space<vmem>>
      %dma_start3A_69 = tpu.memref_squeeze %dma_start3A_68 : memref<1x128xi32, #tpu.memory_space<vmem>> -> memref<128xi32, #tpu.memory_space<vmem>>
      %dma_start3A_70 = arith.constant 0 : i32
      %dma_start3A_71 = arith.constant 0 : i32
      %dma_start3A_72 = tpu.memref_slice %arg4[%dma_start3A_70, %dma_start3A_71] : memref<20000x64xf32, #tpu.memory_space<hbm>> -> memref<20000x64xf32, #tpu.memory_space<hbm>>
      tpu.enqueue_indirect_dma source(%dma_start3A_72 : memref<20000x64xf32, #tpu.memory_space<hbm>>) target(%arg12 : memref<128x64xf32, #tpu.memory_space<vmem>>) offsets(%dma_start3A_69 : memref<128xi32, #tpu.memory_space<vmem>>) semaphore(%arg19 : memref<!tpu.dma_semaphore, #tpu.memory_space<semaphore_mem>>)
      %dma_wait3A_73 = arith.constant 0 : i32
      %dma_wait3A_74 = arith.constant 0 : i32
      %dma_wait3A_75 = tpu.memref_slice %arg10[%dma_wait3A_73, %dma_wait3A_74] : memref<158x128xi32, #tpu.memory_space<vmem>> -> memref<1x128xi32, #tpu.memory_space<vmem>>
      %dma_wait3A_76 = tpu.memref_squeeze %dma_wait3A_75 : memref<1x128xi32, #tpu.memory_space<vmem>> -> memref<128xi32, #tpu.memory_space<vmem>>
      %dma_wait3A_77 = arith.constant 0 : i32
      %dma_wait3A_78 = arith.constant 0 : i32
      %dma_wait3A_79 = tpu.memref_slice %arg4[%dma_wait3A_77, %dma_wait3A_78] : memref<20000x64xf32, #tpu.memory_space<hbm>> -> memref<20000x64xf32, #tpu.memory_space<hbm>>
      tpu.wait_indirect_dma semaphore(%arg20 : memref<!tpu.dma_semaphore, #tpu.memory_space<semaphore_mem>>) src(%dma_wait3A_79 : memref<20000x64xf32, #tpu.memory_space<hbm>>) dst(%arg13 : memref<128x64xf32, #tpu.memory_space<vmem>>)
      "tpu.region"() ({
        %run_scoped3A = tpu.sem_alloc : memref<!tpu.dma_semaphore, #tpu.memory_space<semaphore_mem>>
        %dma_start3A_86 = arith.constant 0 : i32
        %dma_start3A_87 = tpu.memref_slice %arg11[%add3A_44, %dma_start3A_86] : memref<158x128xi32, #tpu.memory_space<vmem>> -> memref<1x128xi32, #tpu.memory_space<vmem>>
        %dma_start3A_88 = tpu.memref_squeeze %dma_start3A_87 : memref<1x128xi32, #tpu.memory_space<vmem>> -> memref<128xi32, #tpu.memory_space<vmem>>
        %dma_start3A_89 = arith.constant 0 : i32
        %dma_start3A_90 = arith.constant 0 : i32
        %dma_start3A_91 = tpu.memref_slice %arg17[%dma_start3A_89, %dma_start3A_90] : memref<10240x64xf32, #tpu.memory_space<vmem_shared>> -> memref<10240x64xf32, #tpu.memory_space<vmem_shared>>
        tpu.enqueue_indirect_dma source(%arg13 : memref<128x64xf32, #tpu.memory_space<vmem>>) target(%dma_start3A_91 : memref<10240x64xf32, #tpu.memory_space<vmem_shared>>) offsets(%dma_start3A_88 : memref<128xi32, #tpu.memory_space<vmem>>) semaphore(%run_scoped3A : memref<!tpu.dma_semaphore, #tpu.memory_space<semaphore_mem>>) {add = true}
        %dma_wait3A_92 = arith.constant 0 : i32
        %dma_wait3A_93 = tpu.memref_slice %arg11[%add3A_44, %dma_wait3A_92] : memref<158x128xi32, #tpu.memory_space<vmem>> -> memref<1x128xi32, #tpu.memory_space<vmem>>
        %dma_wait3A_94 = tpu.memref_squeeze %dma_wait3A_93 : memref<1x128xi32, #tpu.memory_space<vmem>> -> memref<128xi32, #tpu.memory_space<vmem>>
        %dma_wait3A_95 = arith.constant 0 : i32
        %dma_wait3A_96 = arith.constant 0 : i32
        %dma_wait3A_97 = tpu.memref_slice %arg17[%dma_wait3A_95, %dma_wait3A_96] : memref<10240x64xf32, #tpu.memory_space<vmem_shared>> -> memref<10240x64xf32, #tpu.memory_space<vmem_shared>>
        tpu.wait_indirect_dma semaphore(%run_scoped3A : memref<!tpu.dma_semaphore, #tpu.memory_space<semaphore_mem>>) src(%arg13 : memref<128x64xf32, #tpu.memory_space<vmem>>) dst(%dma_wait3A_97 : memref<10240x64xf32, #tpu.memory_space<vmem_shared>>)
        tpu.yield
      }) : () -> ()
      %scan3A_80 = arith.constant 0 : i32
      %scan3A_81 = arith.constant 0 : i32
      %scan3A_82 = arith.constant 8 : i32
      %scan3A_83 = arith.addi %scan3A_81, %scan3A_82 : i32
      %scan3A_84 = arith.constant 1 : i32
      scf.for %scan3A_86 = %scan3A_81 to %scan3A_83 step %scan3A_84  : i32 {
        %mul3A_87 = arith.constant 16 : i32
        %mul3A_88 = arith.muli %scan3A_86, %mul3A_87 : i32
        %get3A = arith.index_cast %add3A_44 : i32 to index
        %get3A_89 = arith.index_cast %mul3A_88 : i32 to index
        %get3A_90 = tpu.vector_load %arg11[%get3A, %get3A_89] {strides = array<i32>} : memref<158x128xi32, #tpu.memory_space<vmem>>, vector<16xi32>,
        %shift_right_logical3A = arith.constant 4 : i32
        %shift_right_logical3A_91 = vector.broadcast %shift_right_logical3A : i32 to vector<16xi32>
        %shift_right_logical3A_92 = arith.shrui %get3A_90, %shift_right_logical3A_91 : vector<16xi32>
        %and3A = arith.constant 15 : i32
        %and3A_93 = vector.broadcast %and3A : i32 to vector<16xi32>
        %and3A_94 = arith.andi %get3A_90, %and3A_93 : vector<16xi32>
        tpu.vector_store_idx %arg14[%shift_right_logical3A_92, %and3A_94], %broadcast_in_dim3A_7 {add = true} : memref<640x16xf32, #tpu.memory_space<vmem>>[vector<16xi32>, vector<16xi32>], vector<16xf32>,
      }
      %scan3A_85 = arith.constant 8 : i32
    }
    %scan3A_18 = arith.constant 79 : i32
    %dma_wait3A = arith.constant 0 : i32
    %dma_wait3A_19 = arith.constant 0 : i32
    %dma_wait3A_20 = tpu.memref_slice %arg10[%dma_wait3A, %dma_wait3A_19] : memref<158x128xi32, #tpu.memory_space<vmem>> -> memref<1x128xi32, #tpu.memory_space<vmem>>
    %dma_wait3A_21 = tpu.memref_squeeze %dma_wait3A_20 : memref<1x128xi32, #tpu.memory_space<vmem>> -> memref<128xi32, #tpu.memory_space<vmem>>
    %dma_wait3A_22 = arith.constant 0 : i32
    %dma_wait3A_23 = arith.constant 0 : i32
    %dma_wait3A_24 = tpu.memref_slice %arg4[%dma_wait3A_22, %dma_wait3A_23] : memref<20000x64xf32, #tpu.memory_space<hbm>> -> memref<20000x64xf32, #tpu.memory_space<hbm>>
    tpu.wait_indirect_dma semaphore(%arg19 : memref<!tpu.dma_semaphore, #tpu.memory_space<semaphore_mem>>) src(%dma_wait3A_24 : memref<20000x64xf32, #tpu.memory_space<hbm>>) dst(%arg12 : memref<128x64xf32, #tpu.memory_space<vmem>>)
    %scan3A_25 = arith.constant 0 : i32
    %scan3A_26 = arith.constant 0 : i32
    %scan3A_27 = arith.constant 5 : i32
    %scan3A_28 = arith.addi %scan3A_26, %scan3A_27 : i32
    %scan3A_29 = arith.constant 1 : i32
    scf.for %scan3A_40 = %scan3A_26 to %scan3A_28 step %scan3A_29  : i32 {
      %mul3A_41 = arith.constant 128 : i32
      %mul3A_42 = arith.muli %scan3A_40, %mul3A_41 : i32
      "tpu.region"() ({
        %run_scoped3A = tpu.sem_alloc : memref<!tpu.dma_semaphore, #tpu.memory_space<semaphore_mem>>
        %dma_start3A_43 = arith.constant 0 : i32
        %dma_start3A_44 = tpu.memref_slice %arg14[%mul3A_42, %dma_start3A_43] : memref<640x16xf32, #tpu.memory_space<vmem>> -> memref<128x16xf32, #tpu.memory_space<vmem>>
        %dma_start3A_45 = arith.constant 0 : i32
        %dma_start3A_46 = tpu.memref_slice %arg16[%scan3A_40, %dma_start3A_45] : memref<5x128xi32, #tpu.memory_space<vmem>> -> memref<1x128xi32, #tpu.memory_space<vmem>>
        %dma_start3A_47 = tpu.memref_squeeze %dma_start3A_46 : memref<1x128xi32, #tpu.memory_space<vmem>> -> memref<128xi32, #tpu.memory_space<vmem>>
        %dma_start3A_48 = arith.constant 0 : i32
        %dma_start3A_49 = arith.constant 0 : i32
        %dma_start3A_50 = tpu.memref_slice %arg18[%dma_start3A_48, %dma_start3A_49] : memref<640x16xf32, #tpu.memory_space<vmem_shared>> -> memref<640x16xf32, #tpu.memory_space<vmem_shared>>
        tpu.enqueue_indirect_dma source(%dma_start3A_44 : memref<128x16xf32, #tpu.memory_space<vmem>>) target(%dma_start3A_50 : memref<640x16xf32, #tpu.memory_space<vmem_shared>>) offsets(%dma_start3A_47 : memref<128xi32, #tpu.memory_space<vmem>>) semaphore(%run_scoped3A : memref<!tpu.dma_semaphore, #tpu.memory_space<semaphore_mem>>) {add = true}
        %dma_wait3A_51 = arith.constant 0 : i32
        %dma_wait3A_52 = tpu.memref_slice %arg14[%mul3A_42, %dma_wait3A_51] : memref<640x16xf32, #tpu.memory_space<vmem>> -> memref<128x16xf32, #tpu.memory_space<vmem>>
        %dma_wait3A_53 = arith.constant 0 : i32
        %dma_wait3A_54 = tpu.memref_slice %arg16[%scan3A_40, %dma_wait3A_53] : memref<5x128xi32, #tpu.memory_space<vmem>> -> memref<1x128xi32, #tpu.memory_space<vmem>>
        %dma_wait3A_55 = tpu.memref_squeeze %dma_wait3A_54 : memref<1x128xi32, #tpu.memory_space<vmem>> -> memref<128xi32, #tpu.memory_space<vmem>>
        %dma_wait3A_56 = arith.constant 0 : i32
        %dma_wait3A_57 = arith.constant 0 : i32
        %dma_wait3A_58 = tpu.memref_slice %arg18[%dma_wait3A_56, %dma_wait3A_57] : memref<640x16xf32, #tpu.memory_space<vmem_shared>> -> memref<640x16xf32, #tpu.memory_space<vmem_shared>>
        tpu.wait_indirect_dma semaphore(%run_scoped3A : memref<!tpu.dma_semaphore, #tpu.memory_space<semaphore_mem>>) src(%dma_wait3A_52 : memref<128x16xf32, #tpu.memory_space<vmem>>) dst(%dma_wait3A_58 : memref<640x16xf32, #tpu.memory_space<vmem_shared>>)
        tpu.yield
      }) : () -> ()
    }
    %scan3A_30 = arith.constant 5 : i32
    %barrier3A_31 = arith.constant 0 : index
    tpu.barrier barrier_id(%barrier3A_31)
    "tpu.region"() ({
      %run_scoped3A = tpu.sem_alloc : memref<!tpu.dma_semaphore, #tpu.memory_space<semaphore_mem>>
      %dma_start3A_40 = arith.constant 0 : i32
      %dma_start3A_41 = tpu.memref_slice %arg8[%add3A, %dma_start3A_40] : memref<20480x64xf32, #tpu.memory_space<hbm>> -> memref<640x64xf32, #tpu.memory_space<hbm>>
      %dma_start3A_42 = arith.constant 0 : i32
      %dma_start3A_43 = tpu.memref_slice %arg17[%mul3A_0, %dma_start3A_42] : memref<10240x64xf32, #tpu.memory_space<vmem_shared>> -> memref<640x64xf32, #tpu.memory_space<vmem_shared>>
      tpu.enqueue_dma source(%dma_start3A_43 : memref<640x64xf32, #tpu.memory_space<vmem_shared>>) target(%dma_start3A_41 : memref<640x64xf32, #tpu.memory_space<hbm>>) target_semaphore(%run_scoped3A : memref<!tpu.dma_semaphore, #tpu.memory_space<semaphore_mem>>)
      %dma_wait3A_44 = arith.constant 0 : i32
      %dma_wait3A_45 = tpu.memref_slice %arg8[%add3A, %dma_wait3A_44] : memref<20480x64xf32, #tpu.memory_space<hbm>> -> memref<640x64xf32, #tpu.memory_space<hbm>>
      %dma_wait3A_46 = arith.constant 0 : i32
      %dma_wait3A_47 = tpu.memref_slice %arg17[%mul3A_0, %dma_wait3A_46] : memref<10240x64xf32, #tpu.memory_space<vmem_shared>> -> memref<640x64xf32, #tpu.memory_space<vmem_shared>>
      tpu.wait_dma2 semaphore(%run_scoped3A : memref<!tpu.dma_semaphore, #tpu.memory_space<semaphore_mem>>) src(%dma_wait3A_47 : memref<640x64xf32, #tpu.memory_space<vmem_shared>>) dst(%dma_wait3A_45 : memref<640x64xf32, #tpu.memory_space<hbm>>)
      tpu.yield
    }) : () -> ()
    "tpu.region"() ({
      %run_scoped3A = tpu.sem_alloc : memref<!tpu.dma_semaphore, #tpu.memory_space<semaphore_mem>>
      %dma_start3A_40 = arith.constant 0 : i32
      %dma_start3A_41 = tpu.memref_slice %arg18[%mul3A_6, %dma_start3A_40] : memref<640x16xf32, #tpu.memory_space<vmem_shared>> -> memref<40x16xf32, #tpu.memory_space<vmem_shared>>
      %dma_start3A_42 = arith.constant 0 : i32
      %dma_start3A_43 = tpu.memref_slice %arg18[%mul3A_6, %dma_start3A_42] : memref<640x16xf32, #tpu.memory_space<vmem_shared>> -> memref<40x16xf32, #tpu.memory_space<vmem_shared>>
      tpu.enqueue_dma source(%dma_start3A_43 : memref<40x16xf32, #tpu.memory_space<vmem_shared>>) target(%arg15 : memref<40x16xf32, #tpu.memory_space<vmem>>) target_semaphore(%run_scoped3A : memref<!tpu.dma_semaphore, #tpu.memory_space<semaphore_mem>>)
      %dma_wait3A_44 = arith.constant 0 : i32
      %dma_wait3A_45 = tpu.memref_slice %arg18[%mul3A_6, %dma_wait3A_44] : memref<640x16xf32, #tpu.memory_space<vmem_shared>> -> memref<40x16xf32, #tpu.memory_space<vmem_shared>>
      %dma_wait3A_46 = arith.constant 0 : i32
      %dma_wait3A_47 = tpu.memref_slice %arg18[%mul3A_6, %dma_wait3A_46] : memref<640x16xf32, #tpu.memory_space<vmem_shared>> -> memref<40x16xf32, #tpu.memory_space<vmem_shared>>
      tpu.wait_dma2 semaphore(%run_scoped3A : memref<!tpu.dma_semaphore, #tpu.memory_space<semaphore_mem>>) src(%dma_wait3A_47 : memref<40x16xf32, #tpu.memory_space<vmem_shared>>) dst(%arg15 : memref<40x16xf32, #tpu.memory_space<vmem>>)
      tpu.yield
    }) : () -> ()
    %scan3A_32 = arith.constant 0 : i32
    %scan3A_33 = arith.constant 0 : i32
    %scan3A_34 = arith.constant 640 : i32
    %scan3A_35 = arith.addi %scan3A_33, %scan3A_34 : i32
    %scan3A_36 = arith.constant 1 : i32
    scf.for %scan3A_40 = %scan3A_33 to %scan3A_35 step %scan3A_36  : i32 {
      %jit3A = arith.constant 16 : i32
      %div3A = arith.divsi %scan3A_40, %jit3A : i32
      %sign3A = arith.constant 0 : i32
      %sign3A_41 = arith.cmpi sgt, %scan3A_40, %sign3A : i32
      %sign3A_42 = arith.extui %sign3A_41 : i1 to i32
      %sign3A_43 = arith.constant 0 : i32
      %sign3A_44 = arith.cmpi slt, %scan3A_40, %sign3A_43 : i32
      %sign3A_45 = arith.extui %sign3A_44 : i1 to i32
      %sign3A_46 = arith.subi %sign3A_42, %sign3A_45 : i32
      %sign3A_47 = arith.constant 0 : i32
      %sign3A_48 = arith.cmpi sgt, %jit3A, %sign3A_47 : i32
      %sign3A_49 = arith.extui %sign3A_48 : i1 to i32
      %sign3A_50 = arith.constant 0 : i32
      %sign3A_51 = arith.cmpi slt, %jit3A, %sign3A_50 : i32
      %sign3A_52 = arith.extui %sign3A_51 : i1 to i32
      %sign3A_53 = arith.subi %sign3A_49, %sign3A_52 : i32
      %ne3A = arith.cmpi ne, %sign3A_46, %sign3A_53 : i32
      %rem3A = arith.remsi %scan3A_40, %jit3A : i32
      %ne3A_54 = arith.constant 0 : i32
      %ne3A_55 = arith.cmpi ne, %rem3A, %ne3A_54 : i32
      %and3A = arith.andi %ne3A, %ne3A_55 : i1
      %sub3A = arith.constant 1 : i32
      %sub3A_56 = arith.subi %div3A, %sub3A : i32
      %select_n3A = arith.select %and3A, %sub3A_56, %div3A : i32
      %broadcast_in_dim3A_57 = vector.broadcast %select_n3A : i32 to vector<16xi32>
      %jit3A_58 = arith.constant 16 : i32
      %eq3A = arith.constant 0 : i32
      %eq3A_59 = arith.cmpi eq, %jit3A_58, %eq3A : i32
      %jit3A_60 = arith.constant 1 : i32
      %select_n3A_61 = arith.select %eq3A_59, %jit3A_60, %jit3A_58 : i32
      %rem3A_62 = arith.remsi %scan3A_40, %select_n3A_61 : i32
      %ne3A_63 = arith.constant 0 : i32
      %ne3A_64 = arith.cmpi ne, %rem3A_62, %ne3A_63 : i32
      %lt3A = arith.constant 0 : i32
      %lt3A_65 = arith.cmpi slt, %rem3A_62, %lt3A : i32
      %lt3A_66 = arith.constant 0 : i32
      %lt3A_67 = arith.cmpi slt, %select_n3A_61, %lt3A_66 : i32
      %ne3A_68 = arith.xori %lt3A_65, %lt3A_67 : i1
      %and3A_69 = arith.andi %ne3A_68, %ne3A_64 : i1
      %add3A_70 = arith.addi %rem3A_62, %select_n3A_61 : i32
      %select_n3A_71 = arith.select %and3A_69, %add3A_70, %rem3A_62 : i32
      %broadcast_in_dim3A_72 = vector.broadcast %select_n3A_71 : i32 to vector<16xi32>
      %gather3A = tpu.vector_load_idx %arg15[%broadcast_in_dim3A_57, %broadcast_in_dim3A_72] : memref<40x16xf32, #tpu.memory_space<vmem>>[vector<16xi32>, vector<16xi32>], vector<16xf32>,
      %swap3A = arith.index_cast %scan3A_40 : i32 to index
      %swap3A_73 = arith.constant 0 : index
      %swap3A_74 = tpu.vector_load %arg14[%swap3A, %swap3A_73] {strides = array<i32>} : memref<640x16xf32, #tpu.memory_space<vmem>>, vector<16xf32>,
      tpu.vector_store %arg14[%swap3A, %swap3A_73], %gather3A {strides = array<i32>} : memref<640x16xf32, #tpu.memory_space<vmem>>, vector<16xf32>,
    }
    %scan3A_37 = arith.constant 640 : i32
    %mul3A_38 = arith.constant 640 : i32
    %mul3A_39 = arith.muli %arg1, %mul3A_38 : i32
    "tpu.region"() ({
      %run_scoped3A = tpu.sem_alloc : memref<!tpu.dma_semaphore, #tpu.memory_space<semaphore_mem>>
      %dma_start3A_40 = arith.constant 0 : i32
      %dma_start3A_41 = arith.constant 0 : i32
      %dma_start3A_42 = tpu.memref_slice %arg14[%dma_start3A_40, %dma_start3A_41] : memref<640x16xf32, #tpu.memory_space<vmem>> -> memref<640x16xf32, #tpu.memory_space<vmem>>
      %dma_start3A_43 = arith.constant 0 : i32
      %dma_start3A_44 = tpu.memref_slice %arg9[%mul3A_39, %dma_start3A_43] : memref<10240x16xf32, #tpu.memory_space<hbm>> -> memref<640x16xf32, #tpu.memory_space<hbm>>
      %dma_start3A_45 = arith.constant 0 : i32
      %dma_start3A_46 = tpu.memref_slice %arg9[%mul3A_39, %dma_start3A_45] : memref<10240x16xf32, #tpu.memory_space<hbm>> -> memref<640x16xf32, #tpu.memory_space<hbm>>
      %dma_start3A_47 = arith.constant 0 : i32
      %dma_start3A_48 = arith.constant 0 : i32
      %dma_start3A_49 = tpu.memref_slice %arg14[%dma_start3A_47, %dma_start3A_48] : memref<640x16xf32, #tpu.memory_space<vmem>> -> memref<640x16xf32, #tpu.memory_space<vmem>>
      tpu.enqueue_dma source(%dma_start3A_49 : memref<640x16xf32, #tpu.memory_space<vmem>>) target(%dma_start3A_46 : memref<640x16xf32, #tpu.memory_space<hbm>>) target_semaphore(%run_scoped3A : memref<!tpu.dma_semaphore, #tpu.memory_space<semaphore_mem>>)
      %dma_wait3A_50 = arith.constant 0 : i32
      %dma_wait3A_51 = arith.constant 0 : i32
      %dma_wait3A_52 = tpu.memref_slice %arg14[%dma_wait3A_50, %dma_wait3A_51] : memref<640x16xf32, #tpu.memory_space<vmem>> -> memref<640x16xf32, #tpu.memory_space<vmem>>
      %dma_wait3A_53 = arith.constant 0 : i32
      %dma_wait3A_54 = tpu.memref_slice %arg9[%mul3A_39, %dma_wait3A_53] : memref<10240x16xf32, #tpu.memory_space<hbm>> -> memref<640x16xf32, #tpu.memory_space<hbm>>
      %dma_wait3A_55 = arith.constant 0 : i32
      %dma_wait3A_56 = tpu.memref_slice %arg9[%mul3A_39, %dma_wait3A_55] : memref<10240x16xf32, #tpu.memory_space<hbm>> -> memref<640x16xf32, #tpu.memory_space<hbm>>
      %dma_wait3A_57 = arith.constant 0 : i32
      %dma_wait3A_58 = arith.constant 0 : i32
      %dma_wait3A_59 = tpu.memref_slice %arg14[%dma_wait3A_57, %dma_wait3A_58] : memref<640x16xf32, #tpu.memory_space<vmem>> -> memref<640x16xf32, #tpu.memory_space<vmem>>
      tpu.wait_dma2 semaphore(%run_scoped3A : memref<!tpu.dma_semaphore, #tpu.memory_space<semaphore_mem>>) src(%dma_wait3A_59 : memref<640x16xf32, #tpu.memory_space<vmem>>) dst(%dma_wait3A_56 : memref<640x16xf32, #tpu.memory_space<hbm>>)
      tpu.yield
    }) : () -> ()
    return
  }
}

#map = affine_map<(d0, d1) -> (0, 0, 0)>
#map1 = affine_map<(d0, d1) -> (0, 0)>
module attributes {stable_mosaic.version = 14 : i64} {
  func.func @_combine_kernel(%arg0: i32, %arg1: i32, %arg2: memref<32x4x80xi32, #tpu.memory_space<hbm>>, %arg3: memref<10000x128xf32, #tpu.memory_space<hbm>>, %arg4: memref<20480x64xf32, #tpu.memory_space<hbm>>, %arg5: memref<10240x16xf32, #tpu.memory_space<hbm>>, %arg6: memref<10240x128xf32, #tpu.memory_space<hbm>>, %arg7: memref<10240x128xf32, #tpu.memory_space<hbm>>, %arg8: memref<4x80xi32, #tpu.memory_space<vmem>>, %arg9: memref<80xi32, #tpu.memory_space<vmem>>, %arg10: memref<80x128xf32, #tpu.memory_space<vmem>>, %arg11: memref<80x64xf32, #tpu.memory_space<vmem>>, %arg12: memref<80x64xf32, #tpu.memory_space<vmem>>, %arg13: memref<80x16xf32, #tpu.memory_space<vmem>>, %arg14: memref<80x128xf32, #tpu.memory_space<vmem>>, %arg15: memref<!tpu.dma_semaphore, #tpu.memory_space<semaphore_mem>>) attributes {dimension_semantics = [#tpu.dimension_semantics<core_parallel>, #tpu.dimension_semantics<subcore_parallel>], iteration_bounds = array<i64: 2, 16>, scalar_prefetch = 0 : i64, scratch_operands = 8 : i64, tpu.core_type = #tpu.core_type<sc_vector_subcore>, window_params = [{transform_indices = #map}, {transform_indices = #map1}, {transform_indices = #map1}, {transform_indices = #map1}, {transform_indices = #map1}, {transform_indices = #map1}]} {
    %mul3A = arith.constant 2 : i32
    %mul3A_0 = arith.muli %arg1, %mul3A : i32
    %add3A = arith.addi %mul3A_0, %arg0 : i32
    "tpu.region"() ({
      %run_scoped3A = tpu.sem_alloc : memref<!tpu.dma_semaphore, #tpu.memory_space<semaphore_mem>>
      %dma_start3A = arith.constant 0 : i32
      %dma_start3A_8 = arith.constant 0 : i32
      %dma_start3A_9 = tpu.memref_slice %arg2[%add3A, %dma_start3A, %dma_start3A_8] : memref<32x4x80xi32, #tpu.memory_space<hbm>> -> memref<1x4x80xi32, #tpu.memory_space<hbm>>
      %dma_start3A_10 = tpu.memref_squeeze %dma_start3A_9 : memref<1x4x80xi32, #tpu.memory_space<hbm>> -> memref<4x80xi32, #tpu.memory_space<hbm>>
      %dma_start3A_11 = arith.constant 0 : i32
      %dma_start3A_12 = arith.constant 0 : i32
      %dma_start3A_13 = tpu.memref_slice %arg2[%add3A, %dma_start3A_11, %dma_start3A_12] : memref<32x4x80xi32, #tpu.memory_space<hbm>> -> memref<1x4x80xi32, #tpu.memory_space<hbm>>
      %dma_start3A_14 = tpu.memref_squeeze %dma_start3A_13 : memref<1x4x80xi32, #tpu.memory_space<hbm>> -> memref<4x80xi32, #tpu.memory_space<hbm>>
      tpu.enqueue_dma source(%dma_start3A_14 : memref<4x80xi32, #tpu.memory_space<hbm>>) target(%arg8 : memref<4x80xi32, #tpu.memory_space<vmem>>) target_semaphore(%run_scoped3A : memref<!tpu.dma_semaphore, #tpu.memory_space<semaphore_mem>>)
      %dma_wait3A = arith.constant 0 : i32
      %dma_wait3A_15 = arith.constant 0 : i32
      %dma_wait3A_16 = tpu.memref_slice %arg2[%add3A, %dma_wait3A, %dma_wait3A_15] : memref<32x4x80xi32, #tpu.memory_space<hbm>> -> memref<1x4x80xi32, #tpu.memory_space<hbm>>
      %dma_wait3A_17 = tpu.memref_squeeze %dma_wait3A_16 : memref<1x4x80xi32, #tpu.memory_space<hbm>> -> memref<4x80xi32, #tpu.memory_space<hbm>>
      %dma_wait3A_18 = arith.constant 0 : i32
      %dma_wait3A_19 = arith.constant 0 : i32
      %dma_wait3A_20 = tpu.memref_slice %arg2[%add3A, %dma_wait3A_18, %dma_wait3A_19] : memref<32x4x80xi32, #tpu.memory_space<hbm>> -> memref<1x4x80xi32, #tpu.memory_space<hbm>>
      %dma_wait3A_21 = tpu.memref_squeeze %dma_wait3A_20 : memref<1x4x80xi32, #tpu.memory_space<hbm>> -> memref<4x80xi32, #tpu.memory_space<hbm>>
      tpu.wait_dma2 semaphore(%run_scoped3A : memref<!tpu.dma_semaphore, #tpu.memory_space<semaphore_mem>>) src(%dma_wait3A_21 : memref<4x80xi32, #tpu.memory_space<hbm>>) dst(%arg8 : memref<4x80xi32, #tpu.memory_space<vmem>>)
      tpu.yield
    }) : () -> ()
    %mul3A_1 = arith.constant 320 : i32
    %mul3A_2 = arith.muli %add3A, %mul3A_1 : i32
    %scan3A = arith.constant 0 : i32
    %scan3A_3 = arith.constant 0 : i32
    %scan3A_4 = arith.constant 4 : i32
    %scan3A_5 = arith.addi %scan3A_3, %scan3A_4 : i32
    %scan3A_6 = arith.constant 1 : i32
    scf.for %scan3A_8 = %scan3A_3 to %scan3A_5 step %scan3A_6  : i32 {
      %scan3A_9 = arith.constant 0 : i32
      %scan3A_10 = arith.constant 0 : i32
      %scan3A_11 = arith.constant 5 : i32
      %scan3A_12 = arith.addi %scan3A_10, %scan3A_11 : i32
      %scan3A_13 = arith.constant 1 : i32
      scf.for %scan3A_64 = %scan3A_10 to %scan3A_12 step %scan3A_13  : i32 {
        %mul3A_65 = arith.constant 16 : i32
        %mul3A_66 = arith.muli %scan3A_64, %mul3A_65 : i32
        %get3A = arith.index_cast %scan3A_8 : i32 to index
        %get3A_67 = arith.index_cast %mul3A_66 : i32 to index
        %get3A_68 = tpu.vector_load %arg8[%get3A, %get3A_67] {strides = array<i32>} : memref<4x80xi32, #tpu.memory_space<vmem>>, vector<16xi32>,
        %add3A_69 = arith.constant 10240 : i32
        %add3A_70 = vector.broadcast %add3A_69 : i32 to vector<16xi32>
        %add3A_71 = arith.addi %get3A_68, %add3A_70 : vector<16xi32>
        %swap3A = arith.index_cast %mul3A_66 : i32 to index
        %swap3A_72 = tpu.vector_load %arg9[%swap3A] {strides = array<i32>} : memref<80xi32, #tpu.memory_space<vmem>>, vector<16xi32>,
        tpu.vector_store %arg9[%swap3A], %add3A_71 {strides = array<i32>} : memref<80xi32, #tpu.memory_space<vmem>>, vector<16xi32>,
      }
      %scan3A_14 = arith.constant 5 : i32
      %dma_start3A = arith.constant 0 : i32
      %dma_start3A_15 = tpu.memref_slice %arg8[%scan3A_8, %dma_start3A] : memref<4x80xi32, #tpu.memory_space<vmem>> -> memref<1x80xi32, #tpu.memory_space<vmem>>
      %dma_start3A_16 = tpu.memref_squeeze %dma_start3A_15 : memref<1x80xi32, #tpu.memory_space<vmem>> -> memref<80xi32, #tpu.memory_space<vmem>>
      %dma_start3A_17 = arith.constant 0 : i32
      %dma_start3A_18 = arith.constant 0 : i32
      %dma_start3A_19 = tpu.memref_slice %arg3[%dma_start3A_17, %dma_start3A_18] : memref<10000x128xf32, #tpu.memory_space<hbm>> -> memref<10000x128xf32, #tpu.memory_space<hbm>>
      tpu.enqueue_indirect_dma source(%dma_start3A_19 : memref<10000x128xf32, #tpu.memory_space<hbm>>) target(%arg10 : memref<80x128xf32, #tpu.memory_space<vmem>>) offsets(%dma_start3A_16 : memref<80xi32, #tpu.memory_space<vmem>>) semaphore(%arg15 : memref<!tpu.dma_semaphore, #tpu.memory_space<semaphore_mem>>)
      %dma_start3A_20 = arith.constant 0 : i32
      %dma_start3A_21 = tpu.memref_slice %arg8[%scan3A_8, %dma_start3A_20] : memref<4x80xi32, #tpu.memory_space<vmem>> -> memref<1x80xi32, #tpu.memory_space<vmem>>
      %dma_start3A_22 = tpu.memref_squeeze %dma_start3A_21 : memref<1x80xi32, #tpu.memory_space<vmem>> -> memref<80xi32, #tpu.memory_space<vmem>>
      %dma_start3A_23 = arith.constant 0 : i32
      %dma_start3A_24 = arith.constant 0 : i32
      %dma_start3A_25 = tpu.memref_slice %arg4[%dma_start3A_23, %dma_start3A_24] : memref<20480x64xf32, #tpu.memory_space<hbm>> -> memref<20480x64xf32, #tpu.memory_space<hbm>>
      tpu.enqueue_indirect_dma source(%dma_start3A_25 : memref<20480x64xf32, #tpu.memory_space<hbm>>) target(%arg11 : memref<80x64xf32, #tpu.memory_space<vmem>>) offsets(%dma_start3A_22 : memref<80xi32, #tpu.memory_space<vmem>>) semaphore(%arg15 : memref<!tpu.dma_semaphore, #tpu.memory_space<semaphore_mem>>)
      %dma_start3A_26 = arith.constant 0 : i32
      %dma_start3A_27 = arith.constant 0 : i32
      %dma_start3A_28 = tpu.memref_slice %arg4[%dma_start3A_26, %dma_start3A_27] : memref<20480x64xf32, #tpu.memory_space<hbm>> -> memref<20480x64xf32, #tpu.memory_space<hbm>>
      tpu.enqueue_indirect_dma source(%dma_start3A_28 : memref<20480x64xf32, #tpu.memory_space<hbm>>) target(%arg12 : memref<80x64xf32, #tpu.memory_space<vmem>>) offsets(%arg9 : memref<80xi32, #tpu.memory_space<vmem>>) semaphore(%arg15 : memref<!tpu.dma_semaphore, #tpu.memory_space<semaphore_mem>>)
      %dma_start3A_29 = arith.constant 0 : i32
      %dma_start3A_30 = tpu.memref_slice %arg8[%scan3A_8, %dma_start3A_29] : memref<4x80xi32, #tpu.memory_space<vmem>> -> memref<1x80xi32, #tpu.memory_space<vmem>>
      %dma_start3A_31 = tpu.memref_squeeze %dma_start3A_30 : memref<1x80xi32, #tpu.memory_space<vmem>> -> memref<80xi32, #tpu.memory_space<vmem>>
      %dma_start3A_32 = arith.constant 0 : i32
      %dma_start3A_33 = arith.constant 0 : i32
      %dma_start3A_34 = tpu.memref_slice %arg5[%dma_start3A_32, %dma_start3A_33] : memref<10240x16xf32, #tpu.memory_space<hbm>> -> memref<10240x16xf32, #tpu.memory_space<hbm>>
      tpu.enqueue_indirect_dma source(%dma_start3A_34 : memref<10240x16xf32, #tpu.memory_space<hbm>>) target(%arg13 : memref<80x16xf32, #tpu.memory_space<vmem>>) offsets(%dma_start3A_31 : memref<80xi32, #tpu.memory_space<vmem>>) semaphore(%arg15 : memref<!tpu.dma_semaphore, #tpu.memory_space<semaphore_mem>>)
      %dma_wait3A = arith.constant 0 : i32
      %dma_wait3A_35 = tpu.memref_slice %arg8[%scan3A_8, %dma_wait3A] : memref<4x80xi32, #tpu.memory_space<vmem>> -> memref<1x80xi32, #tpu.memory_space<vmem>>
      %dma_wait3A_36 = tpu.memref_squeeze %dma_wait3A_35 : memref<1x80xi32, #tpu.memory_space<vmem>> -> memref<80xi32, #tpu.memory_space<vmem>>
      %dma_wait3A_37 = arith.constant 0 : i32
      %dma_wait3A_38 = arith.constant 0 : i32
      %dma_wait3A_39 = tpu.memref_slice %arg3[%dma_wait3A_37, %dma_wait3A_38] : memref<10000x128xf32, #tpu.memory_space<hbm>> -> memref<10000x128xf32, #tpu.memory_space<hbm>>
      tpu.wait_indirect_dma semaphore(%arg15 : memref<!tpu.dma_semaphore, #tpu.memory_space<semaphore_mem>>) src(%dma_wait3A_39 : memref<10000x128xf32, #tpu.memory_space<hbm>>) dst(%arg10 : memref<80x128xf32, #tpu.memory_space<vmem>>)
      %dma_wait3A_40 = arith.constant 0 : i32
      %dma_wait3A_41 = tpu.memref_slice %arg8[%scan3A_8, %dma_wait3A_40] : memref<4x80xi32, #tpu.memory_space<vmem>> -> memref<1x80xi32, #tpu.memory_space<vmem>>
      %dma_wait3A_42 = tpu.memref_squeeze %dma_wait3A_41 : memref<1x80xi32, #tpu.memory_space<vmem>> -> memref<80xi32, #tpu.memory_space<vmem>>
      %dma_wait3A_43 = arith.constant 0 : i32
      %dma_wait3A_44 = arith.constant 0 : i32
      %dma_wait3A_45 = tpu.memref_slice %arg4[%dma_wait3A_43, %dma_wait3A_44] : memref<20480x64xf32, #tpu.memory_space<hbm>> -> memref<20480x64xf32, #tpu.memory_space<hbm>>
      tpu.wait_indirect_dma semaphore(%arg15 : memref<!tpu.dma_semaphore, #tpu.memory_space<semaphore_mem>>) src(%dma_wait3A_45 : memref<20480x64xf32, #tpu.memory_space<hbm>>) dst(%arg11 : memref<80x64xf32, #tpu.memory_space<vmem>>)
      %dma_wait3A_46 = arith.constant 0 : i32
      %dma_wait3A_47 = arith.constant 0 : i32
      %dma_wait3A_48 = tpu.memref_slice %arg4[%dma_wait3A_46, %dma_wait3A_47] : memref<20480x64xf32, #tpu.memory_space<hbm>> -> memref<20480x64xf32, #tpu.memory_space<hbm>>
      tpu.wait_indirect_dma semaphore(%arg15 : memref<!tpu.dma_semaphore, #tpu.memory_space<semaphore_mem>>) src(%dma_wait3A_48 : memref<20480x64xf32, #tpu.memory_space<hbm>>) dst(%arg12 : memref<80x64xf32, #tpu.memory_space<vmem>>)
      %dma_wait3A_49 = arith.constant 0 : i32
      %dma_wait3A_50 = tpu.memref_slice %arg8[%scan3A_8, %dma_wait3A_49] : memref<4x80xi32, #tpu.memory_space<vmem>> -> memref<1x80xi32, #tpu.memory_space<vmem>>
      %dma_wait3A_51 = tpu.memref_squeeze %dma_wait3A_50 : memref<1x80xi32, #tpu.memory_space<vmem>> -> memref<80xi32, #tpu.memory_space<vmem>>
      %dma_wait3A_52 = arith.constant 0 : i32
      %dma_wait3A_53 = arith.constant 0 : i32
      %dma_wait3A_54 = tpu.memref_slice %arg5[%dma_wait3A_52, %dma_wait3A_53] : memref<10240x16xf32, #tpu.memory_space<hbm>> -> memref<10240x16xf32, #tpu.memory_space<hbm>>
      tpu.wait_indirect_dma semaphore(%arg15 : memref<!tpu.dma_semaphore, #tpu.memory_space<semaphore_mem>>) src(%dma_wait3A_54 : memref<10240x16xf32, #tpu.memory_space<hbm>>) dst(%arg13 : memref<80x16xf32, #tpu.memory_space<vmem>>)
      %scan3A_55 = arith.constant 0 : i32
      %scan3A_56 = arith.constant 0 : i32
      %scan3A_57 = arith.constant 80 : i32
      %scan3A_58 = arith.addi %scan3A_56, %scan3A_57 : i32
      %scan3A_59 = arith.constant 1 : i32
      scf.for %scan3A_64 = %scan3A_56 to %scan3A_58 step %scan3A_59  : i32 {
        %get3A = arith.index_cast %scan3A_64 : i32 to index
        %get3A_65 = arith.constant 0 : index
        %get3A_66 = tpu.vector_load %arg13[%get3A, %get3A_65] {strides = array<i32>} : memref<80x16xf32, #tpu.memory_space<vmem>>, vector<16xf32>,
        %max3A = arith.constant 1.000000e+00 : f32
        %max3A_67 = vector.broadcast %max3A : f32 to vector<16xf32>
        %max3A_68 = arith.maximumf %get3A_66, %max3A_67 : vector<16xf32>
        %div3A = arith.constant 1.000000e+00 : f32
        %div3A_69 = vector.broadcast %div3A : f32 to vector<16xf32>
        %div3A_70 = arith.divf %div3A_69, %max3A_68 : vector<16xf32>
        %scan3A_71 = arith.constant 0 : i32
        %scan3A_72 = arith.constant 0 : i32
        %scan3A_73 = arith.constant 4 : i32
        %scan3A_74 = arith.addi %scan3A_72, %scan3A_73 : i32
        %scan3A_75 = arith.constant 1 : i32
        scf.for %scan3A_77 = %scan3A_72 to %scan3A_74 step %scan3A_75  : i32 {
          %mul3A_78 = arith.constant 16 : i32
          %mul3A_79 = arith.muli %scan3A_77, %mul3A_78 : i32
          %get3A_80 = arith.index_cast %scan3A_64 : i32 to index
          %get3A_81 = arith.index_cast %mul3A_79 : i32 to index
          %get3A_82 = tpu.vector_load %arg11[%get3A_80, %get3A_81] {strides = array<i32>} : memref<80x64xf32, #tpu.memory_space<vmem>>, vector<16xf32>,
          %mul3A_83 = arith.mulf %get3A_82, %div3A_70 : vector<16xf32>
          %swap3A = arith.index_cast %scan3A_64 : i32 to index
          %swap3A_84 = arith.index_cast %mul3A_79 : i32 to index
          %swap3A_85 = tpu.vector_load %arg14[%swap3A, %swap3A_84] {strides = array<i32>} : memref<80x128xf32, #tpu.memory_space<vmem>>, vector<16xf32>,
          tpu.vector_store %arg14[%swap3A, %swap3A_84], %mul3A_83 {strides = array<i32>} : memref<80x128xf32, #tpu.memory_space<vmem>>, vector<16xf32>,
          %get3A_86 = arith.index_cast %scan3A_64 : i32 to index
          %get3A_87 = arith.index_cast %mul3A_79 : i32 to index
          %get3A_88 = tpu.vector_load %arg12[%get3A_86, %get3A_87] {strides = array<i32>} : memref<80x64xf32, #tpu.memory_space<vmem>>, vector<16xf32>,
          %mul3A_89 = arith.mulf %get3A_88, %div3A_70 : vector<16xf32>
          %mul3A_90 = arith.constant 16 : i32
          %mul3A_91 = arith.muli %scan3A_77, %mul3A_90 : i32
          %add3A_92 = arith.constant 64 : i32
          %add3A_93 = arith.addi %add3A_92, %mul3A_91 : i32
          %swap3A_94 = arith.index_cast %scan3A_64 : i32 to index
          %swap3A_95 = arith.index_cast %add3A_93 : i32 to index
          %swap3A_96 = tpu.vector_load %arg14[%swap3A_94, %swap3A_95] {strides = array<i32>} : memref<80x128xf32, #tpu.memory_space<vmem>>, vector<16xf32>,
          tpu.vector_store %arg14[%swap3A_94, %swap3A_95], %mul3A_89 {strides = array<i32>} : memref<80x128xf32, #tpu.memory_space<vmem>>, vector<16xf32>,
        }
        %scan3A_76 = arith.constant 4 : i32
      }
      %scan3A_60 = arith.constant 80 : i32
      %mul3A_61 = arith.constant 80 : i32
      %mul3A_62 = arith.muli %scan3A_8, %mul3A_61 : i32
      %add3A_63 = arith.addi %mul3A_2, %mul3A_62 : i32
      "tpu.region"() ({
        %run_scoped3A = tpu.sem_alloc : memref<!tpu.dma_semaphore, #tpu.memory_space<semaphore_mem>>
        %dma_start3A_64 = arith.constant 0 : i32
        %dma_start3A_65 = tpu.memref_slice %arg6[%add3A_63, %dma_start3A_64] : memref<10240x128xf32, #tpu.memory_space<hbm>> -> memref<80x128xf32, #tpu.memory_space<hbm>>
        %dma_start3A_66 = arith.constant 0 : i32
        %dma_start3A_67 = tpu.memref_slice %arg6[%add3A_63, %dma_start3A_66] : memref<10240x128xf32, #tpu.memory_space<hbm>> -> memref<80x128xf32, #tpu.memory_space<hbm>>
        tpu.enqueue_dma source(%arg10 : memref<80x128xf32, #tpu.memory_space<vmem>>) target(%dma_start3A_67 : memref<80x128xf32, #tpu.memory_space<hbm>>) target_semaphore(%run_scoped3A : memref<!tpu.dma_semaphore, #tpu.memory_space<semaphore_mem>>)
        %dma_wait3A_68 = arith.constant 0 : i32
        %dma_wait3A_69 = tpu.memref_slice %arg6[%add3A_63, %dma_wait3A_68] : memref<10240x128xf32, #tpu.memory_space<hbm>> -> memref<80x128xf32, #tpu.memory_space<hbm>>
        %dma_wait3A_70 = arith.constant 0 : i32
        %dma_wait3A_71 = tpu.memref_slice %arg6[%add3A_63, %dma_wait3A_70] : memref<10240x128xf32, #tpu.memory_space<hbm>> -> memref<80x128xf32, #tpu.memory_space<hbm>>
        tpu.wait_dma2 semaphore(%run_scoped3A : memref<!tpu.dma_semaphore, #tpu.memory_space<semaphore_mem>>) src(%arg10 : memref<80x128xf32, #tpu.memory_space<vmem>>) dst(%dma_wait3A_71 : memref<80x128xf32, #tpu.memory_space<hbm>>)
        tpu.yield
      }) : () -> ()
      "tpu.region"() ({
        %run_scoped3A = tpu.sem_alloc : memref<!tpu.dma_semaphore, #tpu.memory_space<semaphore_mem>>
        %dma_start3A_64 = arith.constant 0 : i32
        %dma_start3A_65 = tpu.memref_slice %arg7[%add3A_63, %dma_start3A_64] : memref<10240x128xf32, #tpu.memory_space<hbm>> -> memref<80x128xf32, #tpu.memory_space<hbm>>
        %dma_start3A_66 = arith.constant 0 : i32
        %dma_start3A_67 = tpu.memref_slice %arg7[%add3A_63, %dma_start3A_66] : memref<10240x128xf32, #tpu.memory_space<hbm>> -> memref<80x128xf32, #tpu.memory_space<hbm>>
        tpu.enqueue_dma source(%arg14 : memref<80x128xf32, #tpu.memory_space<vmem>>) target(%dma_start3A_67 : memref<80x128xf32, #tpu.memory_space<hbm>>) target_semaphore(%run_scoped3A : memref<!tpu.dma_semaphore, #tpu.memory_space<semaphore_mem>>)
        %dma_wait3A_68 = arith.constant 0 : i32
        %dma_wait3A_69 = tpu.memref_slice %arg7[%add3A_63, %dma_wait3A_68] : memref<10240x128xf32, #tpu.memory_space<hbm>> -> memref<80x128xf32, #tpu.memory_space<hbm>>
        %dma_wait3A_70 = arith.constant 0 : i32
        %dma_wait3A_71 = tpu.memref_slice %arg7[%add3A_63, %dma_wait3A_70] : memref<10240x128xf32, #tpu.memory_space<hbm>> -> memref<80x128xf32, #tpu.memory_space<hbm>>
        tpu.wait_dma2 semaphore(%run_scoped3A : memref<!tpu.dma_semaphore, #tpu.memory_space<semaphore_mem>>) src(%arg14 : memref<80x128xf32, #tpu.memory_space<vmem>>) dst(%dma_wait3A_71 : memref<80x128xf32, #tpu.memory_space<hbm>>)
        tpu.yield
      }) : () -> ()
    }
    %scan3A_7 = arith.constant 4 : i32
    return
  }
}

module attributes {stable_mosaic.version = 14 : i64} {
  func.func @_mlp_kernel(%arg0: i32, %arg1: memref<1000x128xf32, #tpu.memory_space<vmem>>, %arg2: memref<1000x128xf32, #tpu.memory_space<vmem>>, %arg3: memref<128x256xf32, #tpu.memory_space<vmem>>, %arg4: memref<1x128xf32, #tpu.memory_space<vmem>>, %arg5: memref<1000x128xf32, #tpu.memory_space<vmem>>) attributes {dimension_semantics = [#tpu.dimension_semantics<arbitrary>], iteration_bounds = array<i64: 10>, scalar_prefetch = 0 : i64, scratch_operands = 0 : i64, tpu.core_type = #tpu.core_type<tc>, window_params = [{transform_indices = @transform_0, window_bounds = array<i64: 1000, 128>}, {transform_indices = @transform_1, window_bounds = array<i64: 1000, 128>}, {pipeline_mode = #tpu.pipeline_mode<synchronous>, transform_indices = @transform_2, window_bounds = array<i64: 128, 256>}, {pipeline_mode = #tpu.pipeline_mode<synchronous>, transform_indices = @transform_3, window_bounds = array<i64: 1, 128>}, {transform_indices = @transform_4, window_bounds = array<i64: 1000, 128>}]} {
    %get3A = arith.constant 0 : index
    %get3A_0 = arith.constant 0 : index
    %get3A_1 = vector.load %arg1[%get3A, %get3A_0] : memref<1000x128xf32, #tpu.memory_space<vmem>>, vector<1000x128xf32>
    %get3A_2 = arith.constant 0 : index
    %get3A_3 = arith.constant 0 : index
    %get3A_4 = vector.load %arg2[%get3A_2, %get3A_3] : memref<1000x128xf32, #tpu.memory_space<vmem>>, vector<1000x128xf32>
    %get3A_5 = arith.constant 0 : index
    %get3A_6 = arith.constant 0 : index
    %get3A_7 = vector.load %arg3[%get3A_5, %get3A_6] : memref<128x256xf32, #tpu.memory_space<vmem>>, vector<128x256xf32>
    %slice3A = vector.extract_strided_slice %get3A_7 {offsets = [0, 0], sizes = [128, 128], strides = [1, 1]} : vector<128x256xf32> to vector<128x128xf32>
    %dot_general3A = arith.constant dense<0.000000e+00> : vector<1000x128xf32>
    %dot_general3A_8 = tpu.matmul %get3A_1, %slice3A, %dot_general3A {dimension_numbers = #tpu.dot_dimension_numbers<[1], [1], [0], [0], [0, 0, 1, 0], [], []>, transpose_lhs_hint = false} : vector<1000x128xf32>, vector<128x128xf32>, vector<1000x128xf32> -> vector<1000x128xf32>
    %slice3A_9 = vector.extract_strided_slice %get3A_7 {offsets = [0, 128], sizes = [128, 128], strides = [1, 1]} : vector<128x256xf32> to vector<128x128xf32>
    %dot_general3A_10 = arith.constant dense<0.000000e+00> : vector<1000x128xf32>
    %dot_general3A_11 = tpu.matmul %get3A_4, %slice3A_9, %dot_general3A_10 {dimension_numbers = #tpu.dot_dimension_numbers<[1], [1], [0], [0], [0, 0, 1, 0], [], []>, transpose_lhs_hint = false} : vector<1000x128xf32>, vector<128x128xf32>, vector<1000x128xf32> -> vector<1000x128xf32>
    %add3A = arith.addf %dot_general3A_8, %dot_general3A_11 : vector<1000x128xf32>
    %get3A_12 = arith.constant 0 : index
    %get3A_13 = arith.constant 0 : index
    %get3A_14 = vector.load %arg4[%get3A_12, %get3A_13] : memref<1x128xf32, #tpu.memory_space<vmem>>, vector<1x128xf32>
    %add3A_15 = vector.broadcast %get3A_14 : vector<1x128xf32> to vector<1000x128xf32>
    %add3A_16 = arith.addf %add3A, %add3A_15 : vector<1000x128xf32>
    %max3A = arith.constant 0.000000e+00 : f32
    %max3A_17 = vector.broadcast %max3A : f32 to vector<1000x128xf32>
    %max3A_18 = arith.maximumf %add3A_16, %max3A_17 : vector<1000x128xf32>
    %swap3A = arith.constant 0 : index
    %swap3A_19 = arith.constant 0 : index
    %swap3A_20 = vector.load %arg5[%swap3A, %swap3A_19] : memref<1000x128xf32, #tpu.memory_space<vmem>>, vector<1000x128xf32>
    tpu.vector_store %arg5[%swap3A, %swap3A_19], %max3A_18 {strides = array<i32>} : memref<1000x128xf32, #tpu.memory_space<vmem>>, vector<1000x128xf32>,
    return
  }
  func.func @transform_0(%arg0: i32) -> (i32, i32) {
    %c0_i32 = arith.constant 0 : i32
    %c0_i32_0 = arith.constant 0 : i32
    return %arg0, %c0_i32 : i32, i32
  }
  func.func @transform_1(%arg0: i32) -> (i32, i32) {
    %c0_i32 = arith.constant 0 : i32
    %c0_i32_0 = arith.constant 0 : i32
    return %arg0, %c0_i32 : i32, i32
  }
  func.func @transform_2(%arg0: i32) -> (i32, i32) {
    %c0_i32 = arith.constant 0 : i32
    %c0_i32_0 = arith.constant 0 : i32
    %c0_i32_1 = arith.constant 0 : i32
    return %c0_i32, %c0_i32_0 : i32, i32
  }
  func.func @transform_3(%arg0: i32) -> (i32, i32) {
    %c0_i32 = arith.constant 0 : i32
    %c0_i32_0 = arith.constant 0 : i32
    %c0_i32_1 = arith.constant 0 : i32
    return %c0_i32, %c0_i32_0 : i32, i32
  }
  func.func @transform_4(%arg0: i32) -> (i32, i32) {
    %c0_i32 = arith.constant 0 : i32
    %c0_i32_0 = arith.constant 0 : i32
    return %arg0, %c0_i32 : i32, i32
  }
}

</mosaic_0001>

<sc_bundles>
// kernel: kernel.5.cloned.1.call-start
scs
__scs_entry_jumppad:
0x0: {  	(pc) =	sbr.rel $0x88, $3  }
0x1: {  	(tag) =	ssettag $0x0;
	lr =	simm.s32 $0x1  }
0x2: {  	[smem:$0x3F9C] =	sst lr;
	_ =	strace $0xD0000000  }
0x3: {  	_ = 	snop  }
0x4: {  	_ = 	snop  }
0x5: {  	_ = 	snop  }
0x6: {  	_ = 	snop  }
0x7: {  	_ = 	snop  }
__scs_overlays_trampoline_lowered:
0x8: {  	[smem:$0x3FAB] =	sst s0  }
0x9: {  	[smem:$0x3FAC] =	sst s1  }
0xa: {  	[smem:$0x3FAD] =	sst s2  }
0xb: {  	[smem:$0x3FAE] =	sst s3  }
0xc: {  	[smem:$0x3FAF] =	sst s4  }
0xd: {  	[smem:$0x3FB0] =	sst s5  }
0xe: {  	[smem:$0x3FB1] =	sst s6  }
0xf: {  	[smem:$0x3FB2] =	sst s7  }
0x10: {  	[smem:$0x3FB3] =	sst s8  }
0x11: {  	[smem:$0x3FB4] =	sst s9;
	s0 =	simm.s32 @!p0 $0x0  }
0x12: {  	s1 =	sld [smem:$0x3F9A];
	s0 =	simm.s32 @p0 $0x1  }
0x13: {  	[smem:$0x3FB5] =	sst s0;
	s0 =	simm.s32 @!p1 $0x0  }
0x14: {  	s2 =	sld [smem:$0x3F99];
	s0 =	simm.s32 @p1 $0x1  }
0x15: {  	[smem:$0x3FB6] =	sst s0;
	s0 =	simm.s32 @!p2 $0x0  }
0x16: {  	s3 =	sld [smem:$0x3FDB];
	s0 =	simm.s32 @p2 $0x1  }
0x17: {  	s4 =	simm.s32 $0x1BF5;
	[smem:$0x3FB8] =	sst s0  }
0x18: {  	s0 =	sld [smem:$0x3F9B];
	_ =	swait.ge [sflag:s4], $0x0  }
0x19: {  	s7 =	sld [smem:$0x3F9C]  }
0x1a: {  	s8 =	sadd.s32 $0xFFFFE003, lr  }
0x1b: {  	s9 =	sadd.s32 $0xFFFFFEF7, lr;
	s5 =	simm.s32 $0xFFFFFFFF;
	p2 =	slt.u32 s8, $0xFFFFF086  }
0x1c: {  	p1 =	slt.u32 s9, $0xF7A;
	s5 =	simm.s32 @!p2 $0x0  }
0x1d: {  	s5 =	simm.s32 @p1 $0x1;
	p0 =	seq.s32 s7, s2  }
0x1e: {  	s7 =	smul.u32 @!p0 $0xF7A, s2;
	p2 =	seq.s32 @!p0 s5, $0x0  }
0x1f: {  	s9 =	smul.u32 $0xF7A, s1;
	s8 =	simm.s32 @!p0 $0x1BF5;
	p2 =	por !p2, p0  }
0x20: {  	[sflag:s8] =	ssyncset.s32 @!p0 $0xFFFFF086;
	s6 =	sadd.s32 @!p0 s3, s7;
	s7 =	simm.s32 @!p0 $0x108  }
0x21: {  	s3 =	sadd.s32 s3, s9;
	s6 =	sadd.s32 @!p0 $0x88, s6;
	s7 =	simm.s32 @p2 $0x1082  }
0x22: {  	[simem:s7], [sflag:s8] =	dma.local @!p0 [hbm:s6], $0xF7A  }
0x23: {  	s9 =	sor.u32 $0xD0000000, s2;
	s6 =	simm.s32 $0x108;
	_ =	swait.ge @!p0 [sflag:s8], $0x0  }
0x24: {  	s3 =	sadd.s32 $0x88, s3;
	s6 =	simm.s32 @!p1 $0x1082;
	[sflag:s4] =	ssyncset.s32 $0xFFFFF086  }
0x25: {  	[simem:s6], [sflag:s4] =	dma.local [hbm:s3], $0xF7A  }
0x26: {  	[smem:$0x3F9C] =	sst s1;
	(tag) =	ssettag s2;
	_ =	strace s9  }
0x27: {  	s1 =	sld [smem:$0x3FAC]  }
0x28: {  	s2 =	sld [smem:$0x3FAD]  }
0x29: {  	s4 =	sld [smem:$0x3FAF]  }
0x2a: {  	p0 =	seq.s32 s5, $0x0;
	s5 =	sld [smem:$0x3FB0]  }
0x2b: {  	s6 =	sld [smem:$0x3FB1]  }
0x2c: {  	s7 =	sld [smem:$0x3FB2]  }
0x2d: {  	s3 =	simm.s32 $0x108;
	s8 =	sld [smem:$0x3FB3]  }
0x2e: {  	s3 =	simm.s32 @!p0 $0x1082;
	s9 =	sld [smem:$0x3FB4]  }
0x2f: {  	lr =	sadd.s32 s0, s3;
	s0 =	sld [smem:$0x3FAB]  }
0x30: {  	s3 =	sld [smem:$0x3FAE]  }
0x31: {  	[smem:$0x3FB7] =	sst s10  }
0x32: {  	s10 =	sld [smem:$0x3FB5];
	_ =	sdelay $0x3  }
0x33: {  	p0 =	seq.s32 s10, $0x1;
	s10 =	sld [smem:$0x3FB7];
	_ =	sdelay $0x3  }
0x34: {  	[smem:$0x3FB7] =	sst s10  }
0x35: {  	s10 =	sld [smem:$0x3FB6];
	_ =	sdelay $0x3  }
0x36: {  	p1 =	seq.s32 s10, $0x1;
	s10 =	sld [smem:$0x3FB7];
	_ =	sdelay $0x3  }
0x37: {  	[smem:$0x3FB7] =	sst s10  }
0x38: {  	s10 =	sld [smem:$0x3FB8]  }
0x39: {  	_ = 	snop;
	(pc) =	sbr.ind lr, $3  }
0x3a: {  	_ = 	snop  }
0x3b: {  	_ = 	snop  }
0x3c: {  	p2 =	seq.s32 s10, $0x1;
	s10 =	sld [smem:$0x3FB7]  }
0x3d: {  	_ =	shalt  }
0x3e: {  	_ =	shalt  }
0x3f: {  	_ =	shalt  }
0x40: {  	_ =	shalt  }
0x41: {  	_ =	shalt  }
0x42: {  	_ =	shalt  }
0x43: {  	_ =	shalt  }
0x44: {  	_ =	shalt  }
0x45: {  	_ =	shalt  }
0x46: {  	_ =	shalt  }
0x47: {  	_ =	shalt  }
0x48: {  	_ =	shalt  }
0x49: {  	_ =	shalt  }
0x4a: {  	_ =	shalt  }
0x4b: {  	_ =	shalt  }
0x4c: {  	_ =	shalt  }
0x4d: {  	_ =	shalt  }
0x4e: {  	_ =	shalt  }
0x4f: {  	_ =	shalt  }
0x50: {  	_ =	shalt  }
0x51: {  	_ =	shalt  }
0x52: {  	_ =	shalt  }
0x53: {  	_ =	shalt  }
0x54: {  	_ =	shalt  }
0x55: {  	_ =	shalt  }
0x56: {  	_ =	shalt  }
0x57: {  	_ =	shalt  }
0x58: {  	_ =	shalt  }
0x59: {  	_ =	shalt  }
0x5a: {  	_ =	shalt  }
0x5b: {  	_ =	shalt  }
0x5c: {  	_ =	shalt  }
0x5d: {  	_ =	shalt  }
0x5e: {  	_ =	shalt  }
0x5f: {  	_ =	shalt  }
0x60: {  	_ =	shalt  }
0x61: {  	_ =	shalt  }
0x62: {  	_ =	shalt  }
0x63: {  	_ =	shalt  }
0x64: {  	_ =	shalt  }
0x65: {  	_ =	shalt  }
0x66: {  	_ =	shalt  }
0x67: {  	_ =	shalt  }
0x68: {  	_ =	shalt  }
0x69: {  	_ =	shalt  }
0x6a: {  	_ =	shalt  }
0x6b: {  	_ =	shalt  }
0x6c: {  	_ =	shalt  }
0x6d: {  	_ =	shalt  }
0x6e: {  	_ =	shalt  }
0x6f: {  	_ =	shalt  }
0x70: {  	_ =	shalt  }
0x71: {  	_ =	shalt  }
0x72: {  	_ =	shalt  }
0x73: {  	_ =	shalt  }
0x74: {  	_ =	shalt  }
0x75: {  	_ =	shalt  }
0x76: {  	_ =	shalt  }
0x77: {  	_ =	shalt  }
0x78: {  	_ =	shalt  }
0x79: {  	_ =	shalt  }
0x7a: {  	_ =	shalt  }
0x7b: {  	_ =	shalt  }
0x7c: {  	_ =	shalt  }
0x7d: {  	_ =	shalt  }
0x7e: {  	_ =	shalt  }
0x7f: {  	_ =	shalt  }
0x80: {  	_ =	shalt  }
0x81: {  	_ =	shalt  }
0x82: {  	_ =	shalt  }
0x83: {  	_ =	shalt  }
0x84: {  	_ =	shalt  }
0x85: {  	_ =	shalt  }
0x86: {  	_ =	shalt  }
0x87: {  	_ =	shalt  }
.Lfunc_end0:
.L_simem_size_0:
called_computation_lowered:
.L_overlay_start_0:
0x88: {  	s2 =	sld [smem:$0x3FD9]  }
0x89: {  	s3 =	sld [smem:$0x3FFE];
	_ =	sdelay $0x1  }
0x8a: {  	s1 =	srdreg.scid  }
0x8b: {  	s0 =	sand.u32 $0x1, s1  }
0x8c: {  	s17 =	sshll.u32 s0, $0xA;
	s2 =	sadd.s32 s3, s2  }
0x8d: {  	s2 =	sadd.s32 s2, s17  }
0x8e: {  	[smem:$0x3FC3] =	sst s2  }
0x8f: {  	_ = 	snop  }
0x90: {  	s2 =	sld [smem:$0x3FD0];
	(tm) =	ssettm $0x1  }
0x91: {  	s18 =	sld [smem:$0x3FFB];
	_ =	sdelay $0x3  }
0x92: {  	_ =	strace s18  }
0x93: {  	s3 =	sld [smem:$0x3FFC];
	_ =	sdelay $0x3  }
0x94: {  	_ =	strace s3  }
0x95: {  	s3 =	sld [smem:$0x3FFD];
	_ =	sdelay $0x3  }
0x96: {  	_ =	strace s3  }
0x97: {  	_ =	strace $0x8FFFFFFF  }
0x98: {  	s19 =	sld [smem:$0x3FDB];
	_ =	sdelay $0x1  }
0x99: {  	s4 =	simm.s32 $_scs_section_size  }
0x9a: {  	s5 =	simm.s32 $_size__tile_overlayer_lowered;
	s6 =	simm.s32 $_tile_overlayer_lowered  }
0x9b: {  	s22 =	simm.s32 $0x1BFF;
	s21 =	sshll.u32 s6, $0x1;
	s3 =	sadd.s32 s4, s19  }
0x9c: {  	s7 =	simm.s32 $0x0;
	s20 =	sshll.u32 s5, $0x1;
	s5 =	sadd.s32 s21, s3  }
0x9d: {  	[timem:s7], [sflag:s22] =	dma.local [hbm:s5], s20  }
0x9e: {  	_ =	swait.ge [sflag:s22], s20  }
0x9f: {  	s4 =	ssub.s32 $0x0, s20;
	[sflag:s22] =	ssyncset.done $0x0  }
0xa0: {  	[sflag:s22] =	ssyncadd.s32 s4;
	_ =	sdelay $0x1  }
0xa1: {  	s23 =	simm.s32 $0x1B8B  }
0xa2: {  	_ =	swait.ge [sflag:s23], $0x1  }
0xa3: {  	[sflag:s23] =	ssyncset.done $0x0  }
0xa4: {  	s25 =	simm.s32 $0x1B8E;
	s24 =	sld [smem:$0x3FFE];
	[sflag:s23] =	ssyncadd.s32 $0xFFFFFFFF  }
0xa5: {  	s26 =	simm.s32 $execute0_lowered;
	[smem:$0x3FD2] =	sst s25  }
0xa6: {  	s5 =	sshll.u32 s26, $0x1;
	_ =	strace $0x80000046;
	[dreg:$0x1] =	wrdreg $0xFFFFFFFF  }
0xa7: {  	s28 =	simm.s32 $_size_execute0_lowered;
	s3 =	sadd.s32 s3, s5;
	[dreg:$0x0] =	wrdreg $0x0  }
0xa8: {  	s5 =	sshll.u32 s28, $0x1;
	[dreg:$0x2] =	wrdreg s3  }
0xa9: {  	[dreg:$0x3] =	wrdreg s5  }
0xaa: {  	[dreg:$0x4] =	wrdreg $0xC0  }
0xab: {  	_ =	task [dreg:s7], $0x5FFFF  }
0xac: {  	[dreg:$0x1] =	wrdreg $0xFFFFFFFF  }
0xad: {  	[dreg:$0x0] =	wrdreg $0x60  }
0xae: {  	[dreg:$0x2] =	wrdreg s24  }
0xaf: {  	[dreg:$0x3] =	wrdreg s2  }
0xb0: {  	[dreg:$0x4] =	wrdreg $0x10B000  }
0xb1: {  	[dreg:$0x5] =	wrdreg $0x1AB000  }
0xb2: {  	[dreg:$0x6] =	wrdreg $0x9  }
0xb3: {  	_ =	task.clear_ibuf [dreg:s7], $0x7FFFF;
	_ =	strace $0x90000046  }
0xb4: {  	s29 =	simm.s32 $0x9;
	_ =	strace $0x80000048  }
0xb5: {  	_ =	swait.ge [sflag:s29], $0x1  }
0xb6: {  	[sflag:s29] =	ssyncadd.s32 $0xFFFFFFFF  }
0xb7: {  	_ =	strace $0x90000048  }
0xb8: {  	_ =	sfence  }
0xb9: {  	s30 =	sld [smem:$0x0];
	_ =	sdelay $0x2  }
0xba: {  	s31 =	sshll.u32 s1, $0xD;
	s1 =	sshrl.u32 s1, $0x2  }
0xbb: {  	s3 =	sand.u32 $0x4000, s31;
	s1 =	sadd.s32 s1, s30  }
0xbc: {  	s0 =	sor.u32 s3, s0;
	s1 =	sshll.u32 s1, $0x11  }
0xbd: {  	s0 =	sor.u32 s1, s0  }
0xbe: {  	s0 =	sadd.s32 $0x8F2B, s0  }
0xbf: {  	[sflag:s0] =	ssyncadd.remote.s32 $0x1  }
0xc0: {  	_ =	sfence.sel $0xFFFF  }
0xc1: {  	[dreg:$0x0] =	wrdreg $0xFFFFFFFF;
	(pc) =	sbr.abs _section_cstart, $3  }
0xc2: {  	[dreg:$0x1] =	wrdreg $0xFFFFFFFF  }
0xc3: {  	_ =	task.clear_ibuf [dreg:s7], $0x2FFFF;
	_ =	strace $0x9FFFFFFF  }
0xc4: {  	(tm) =	ssettm $0x7FFFFFFF  }
0xc5: {  	_ =	shalt  }
tec
execute0_lowered:
.L_overlay_start_1:
0x0: {  	(tag) =	ssettag $0x1  }
0x1: {  	s0 =	rddreg [dreg:$0x0]  }
0x2: {  	s2 =	rddreg [dreg:$0x1]  }
0x3: {  	s1 =	srdreg.scid;
	s3 =	rddreg [dreg:$0x2]  }
0x4: {  	s18 =	stileid.u32;
	s4 =	rddreg [dreg:$0x3];
	s5 =	simm.s32 $0x0  }
0x5: {  	s20 =	simm.s32 $0xDE00;
	s22 =	simm.s32 $0x10880;
	s23 =	simm.s32 $0x80  }
0x6: {  	s28 =	simm.s32 $0x2;
	s29 =	simm.s32 $0x4E80;
	s6 =	smul.u32 $0x4F00, s18  }
0x7: {  	s30 =	simm.s32 $0x10600;
	s31 =	simm.s32 $0x0;
	s8 =	smul.u32 $0xA000, s18  }
0x8: {  	s1 =	sand.u32 $0x1, s1;
	[smem:$0x7FF] =	sst s5;
	s11 =	smul.u32 $0x280, s18  }
0x9: {  	s14 =	smul.u32 $0x500, s18;
	s25 =	sadd.s32 $0x1C00, s0;
	s26 =	sshll.u32 s18, $0x6  }
0xa: {  	s18 =	simm.s32 $0x3;
	s7 =	smul.u32 $0x4F000, s1;
	_ =	strace $0x80000047  }
0xb: {  	s9 =	smul.u32 $0x2800, s1;
	s1 =	ssub.s32 $0x2, s1;
	[dreg:$0x5] =	wrdreg s25  }
0xc: {  	s25 =	simm.s32 $0xBE00;
	s24 =	sshrl.u32 s8, $0x3;
	s15 =	sshrl.u32 s1, $0x1  }
0xd: {  	s17 =	sadd.s32 s8, s3;
	s7 =	sadd.s32 s6, s7;
	s6 =	sshrl.u32 s6, $0x3  }
0xe: {  	s10 =	sadd.s32 s24, s0;
	s9 =	sadd.s32 s11, s9;
	s1 =	ssub.s32 s1, s15  }
0xf: {  	s17 =	sshrl.u32 s17, $0x3;
	s24 =	simm.s32 $0x9E00;
	s7 =	sshrl.u32 s7, $0x3  }
0x10: {  	s13 =	sadd.s32 s6, s0;
	s6 =	sadd.s32 $0x33800, s0;
	s9 =	sshll.u32 s9, $0x3  }
0x11: {  	s8 =	sadd.s32 $0x1F800, s10;
	s10 =	sadd.s32 s11, s4;
	s11 =	sshrl.u32 s11, $0x3  }
0x12: {  	s12 =	sadd.s32 s7, s0;
	s16 =	sadd.s32 s9, s0;
	s0 =	sadd.s32 s14, s0  }
0x13: {  	s9 =	sor.u32 $0x1C03, s26;
	s11 =	sadd.s32 s6, s11;
	s13 =	sadd.s32 $0x15A00, s13  }
0x14: {  	s19 =	sshrl.u32 s10, $0x3;
	s26 =	simm.s32 $0x1;
	s12 =	sadd.s32 $0x1E00, s12  }
0x15: {  	v0 =	vimm.f32 $1.000000000e+00;
	s14 =	sadd.s32 $0x33E00, s16;
	s15 =	sadd.s32 $0x5BE00, s0;
	s16 =	smax.u32 s1, $0x1  }
.LBB2_1:
0x16: {  	[spmem:s17], [sflag:s9] =	dma.local [hbm:s8], $0x1400  }
0x17: {  	_ =	swait.ge [sflag:s18], $0x1400  }
0x18: {  	[sflag:s18] =	ssyncset.done $0x0  }
0x19: {  	[sflag:s18] =	ssyncadd.s32 $0xFFFFEC00  }
0x1a: {  	[spmem:s19], [sflag:s9] =	dma.local [hbm:s11], $0x50  }
0x1b: {  	_ =	swait.ge [sflag:s18], $0x50  }
0x1c: {  	[sflag:s18] =	ssyncset.done $0x0  }
0x1d: {  	[sflag:s18] =	ssyncadd.s32 $0xFFFFFFB0  }
0x1e: {  	[tilespmem:s20], [sflag:$0x3] =	stream.linear.gather [hbm4b:s6+s5], $0x2800, $0x38;
	[tilespmem:$0x1AD80] =	vst v63  }
0x1f: {  	_ =	swait.ge [sflag:s18], $0x2800  }
0x20: {  	[sflag:s18] =	ssyncset.done $0x0  }
0x21: {  	[sflag:s18] =	ssyncadd.s32 $0xFFFFD800  }
0x22: {  	[tilespmem:s5], [sflag:$0x3] =	stream.linear.gather [hbm4b:s12+s5], $0x4F00, $0x38;
	[tilespmem:$0x1AD80] =	vst v63  }
0x23: {  	_ =	swait.ge [sflag:s18], $0x4F00  }
0x24: {  	[sflag:s18] =	ssyncset.done $0x0  }
0x25: {  	s0 =	simm.s32 $0x4F00;
	[sflag:s18] =	ssyncadd.s32 $0xFFFFB100  }
0x26: {  	[tilespmem:s0], [sflag:$0x3] =	stream.linear.gather [hbm4b:s13+s5], $0x4F00, $0x38;
	[tilespmem:$0x1AD80] =	vst v63  }
0x27: {  	_ =	swait.ge [sflag:s18], $0x4F00  }
0x28: {  	[sflag:s18] =	ssyncset.done $0x0  }
0x29: {  	s21 =	rddreg [dreg:$0x5];
	[sflag:s18] =	ssyncadd.s32 $0xFFFFB100  }
0x2a: {  	[tilespmem:s22], [sflag:$0x3] =	stream.linear.gather [hbm4b:s21+s5], $0x280, $0x38;
	[tilespmem:$0x1AD80] =	vst v63  }
0x2b: {  	_ =	swait.ge [sflag:s18], $0x280  }
0x2c: {  	[sflag:s18] =	ssyncset.done $0x0  }
0x2d: {  	[sflag:s18] =	ssyncadd.s32 $0xFFFFFD80  }
0x2e: {  	s1 =	simm.s32 $0x0;
	[bflag:$0x0] =	sbarrier.arrive $0xFFFF  }
0x2f: {  	[tilespmem:s24], [sflag:$0x1] =	stream.indirect.gather [hbm4b:s2+s23], $0x40, s5, s23, $0xb8;
	[tilespmem:$0x1AD80] =	vst v63  }
.LBB2_2:
0x30: {  	s0 =	sshra.s32 s1, $0x2  }
0x31: {  	s21 =	sadd.s32 $0x80, s0  }
0x32: {  	[tilespmem:s25], [sflag:$0x2] =	stream.indirect.gather [hbm4b:s2+s23], $0x40, s21, s23, $0xb8;
	[tilespmem:$0x1AD80] =	vst v63  }
0x33: {  	_ =	swait.ge [sflag:s26], $0x2000  }
0x34: {  	[sflag:s26] =	ssyncset.done $0x0  }
0x35: {  	s7 =	sadd.s32 $0x4F00, s0;
	[sflag:s26] =	ssyncadd.s32 $0xFFFFE000  }
0x36: {  	[spmem:s3] =	stream.indirect.scatter.add.f32 [tilespmem:s24], [sflag:$0x3], $0x40, s7, s23, $0xb8;
	[tilespmem:$0x1AD80] =	vst v63  }
0x37: {  	_ =	swait.ge [sflag:s18], $0x2000  }
0x38: {  	[sflag:s18] =	ssyncset.done $0x0  }
0x39: {  	[sflag:s18] =	ssyncadd.s32 $0xFFFFE000  }
0x3a: {  	v1 =	vld [tilespmem:s0+$0x4F00];
	_ =	sdelay $0x7  }
0x3b: {  	[tilespmem:v1+s20+$0x0] =	vst.idx.add.f32.msk $0xffff, v0  }
0x3c: {  	v1 =	vld [tilespmem:s0+$0x4F10];
	_ =	sdelay $0x7  }
0x3d: {  	[tilespmem:v1+s20+$0x0] =	vst.idx.add.f32.msk $0xffff, v0  }
0x3e: {  	v1 =	vld [tilespmem:s0+$0x4F20];
	_ =	sdelay $0x7  }
0x3f: {  	[tilespmem:v1+s20+$0x0] =	vst.idx.add.f32.msk $0xffff, v0  }
0x40: {  	v1 =	vld [tilespmem:s0+$0x4F30];
	_ =	sdelay $0x7  }
0x41: {  	[tilespmem:v1+s20+$0x0] =	vst.idx.add.f32.msk $0xffff, v0  }
0x42: {  	v1 =	vld [tilespmem:s0+$0x4F40];
	_ =	sdelay $0x7  }
0x43: {  	[tilespmem:v1+s20+$0x0] =	vst.idx.add.f32.msk $0xffff, v0  }
0x44: {  	v1 =	vld [tilespmem:s0+$0x4F50];
	_ =	sdelay $0x7  }
0x45: {  	[tilespmem:v1+s20+$0x0] =	vst.idx.add.f32.msk $0xffff, v0  }
0x46: {  	v1 =	vld [tilespmem:s0+$0x4F60];
	_ =	sdelay $0x7  }
0x47: {  	[tilespmem:v1+s20+$0x0] =	vst.idx.add.f32.msk $0xffff, v0  }
0x48: {  	v1 =	vld [tilespmem:s0+$0x4F70];
	_ =	sdelay $0x7  }
0x49: {  	s7 =	sadd.s32 $0x100, s0;
	[tilespmem:v1+s20+$0x0] =	vst.idx.add.f32.msk $0xffff, v0  }
0x4a: {  	[tilespmem:s24], [sflag:$0x1] =	stream.indirect.gather [hbm4b:s2+s23], $0x40, s7, s23, $0xb8;
	[tilespmem:$0x1AD80] =	vst v63  }
0x4b: {  	_ =	swait.ge [sflag:s28], $0x2000  }
0x4c: {  	[sflag:s28] =	ssyncset.done $0x0  }
0x4d: {  	s7 =	sadd.s32 $0x4F80, s0;
	[sflag:s28] =	ssyncadd.s32 $0xFFFFE000  }
0x4e: {  	[spmem:s3] =	stream.indirect.scatter.add.f32 [tilespmem:s25], [sflag:$0x3], $0x40, s7, s23, $0xb8;
	[tilespmem:$0x1AD80] =	vst v63  }
0x4f: {  	_ =	swait.ge [sflag:s18], $0x2000  }
0x50: {  	[sflag:s18] =	ssyncset.done $0x0  }
0x51: {  	[sflag:s18] =	ssyncadd.s32 $0xFFFFE000  }
0x52: {  	v1 =	vld [tilespmem:s0+$0x4F80];
	_ =	sdelay $0x7  }
0x53: {  	[tilespmem:v1+s20+$0x0] =	vst.idx.add.f32.msk $0xffff, v0  }
0x54: {  	v1 =	vld [tilespmem:s0+$0x4F90];
	_ =	sdelay $0x7  }
0x55: {  	[tilespmem:v1+s20+$0x0] =	vst.idx.add.f32.msk $0xffff, v0  }
0x56: {  	v1 =	vld [tilespmem:s0+$0x4FA0];
	_ =	sdelay $0x7  }
0x57: {  	[tilespmem:v1+s20+$0x0] =	vst.idx.add.f32.msk $0xffff, v0  }
0x58: {  	v1 =	vld [tilespmem:s0+$0x4FB0];
	_ =	sdelay $0x7  }
0x59: {  	[tilespmem:v1+s20+$0x0] =	vst.idx.add.f32.msk $0xffff, v0  }
0x5a: {  	v1 =	vld [tilespmem:s0+$0x4FC0];
	_ =	sdelay $0x7  }
0x5b: {  	[tilespmem:v1+s20+$0x0] =	vst.idx.add.f32.msk $0xffff, v0  }
0x5c: {  	v1 =	vld [tilespmem:s0+$0x4FD0];
	_ =	sdelay $0x7  }
0x5d: {  	[tilespmem:v1+s20+$0x0] =	vst.idx.add.f32.msk $0xffff, v0  }
0x5e: {  	v1 =	vld [tilespmem:s0+$0x4FE0];
	_ =	sdelay $0x7  }
0x5f: {  	[tilespmem:v1+s20+$0x0] =	vst.idx.add.f32.msk $0xffff, v0  }
0x60: {  	v1 =	vld [tilespmem:s0+$0x4FF0];
	_ =	sdelay $0x2  }
0x61: {  	p0 =	sne.s32 s1, $0x13400  }
.Ltmp0:
0x62: {  	_ = 	snop;
	(pc) =	sbr.rel @p0 .LBB2_2-.Ltmp0, $2  }
0x63: {  	_ =	sdelay $0x2  }
0x64: {  	s1 =	sadd.s32 $0x400, s1;
	[tilespmem:v1+s20+$0x0] =	vst.idx.add.f32.msk $0xffff, v0  }
0x65: {  	[tilespmem:s25], [sflag:$0x2] =	stream.indirect.gather [hbm4b:s2+s23], $0x40, s29, s23, $0xb8;
	[tilespmem:$0x1AD80] =	vst v63  }
0x66: {  	_ =	swait.ge [sflag:s26], $0x2000  }
0x67: {  	[sflag:s26] =	ssyncset.done $0x0  }
0x68: {  	s0 =	simm.s32 $0x9D00;
	[sflag:s26] =	ssyncadd.s32 $0xFFFFE000  }
0x69: {  	[spmem:s3] =	stream.indirect.scatter.add.f32 [tilespmem:s24], [sflag:$0x3], $0x40, s0, s23, $0xb8;
	[tilespmem:$0x1AD80] =	vst v63  }
0x6a: {  	_ =	swait.ge [sflag:s18], $0x2000  }
0x6b: {  	[sflag:s18] =	ssyncset.done $0x0  }
0x6c: {  	[sflag:s18] =	ssyncadd.s32 $0xFFFFE000  }
0x6d: {  	v1 =	vld [tilespmem:$0x9D00];
	_ =	sdelay $0x6  }
0x6e: {  	s1 =	simm.s32 $0xDE00  }
0x6f: {  	[tilespmem:v1+s1+$0x0] =	vst.idx.add.f32.msk $0xffff, v0  }
0x70: {  	v1 =	vld [tilespmem:$0x9D10];
	_ =	sdelay $0x7  }
0x71: {  	[tilespmem:v1+s1+$0x0] =	vst.idx.add.f32.msk $0xffff, v0  }
0x72: {  	v1 =	vld [tilespmem:$0x9D20];
	_ =	sdelay $0x7  }
0x73: {  	[tilespmem:v1+s1+$0x0] =	vst.idx.add.f32.msk $0xffff, v0  }
0x74: {  	v1 =	vld [tilespmem:$0x9D30];
	_ =	sdelay $0x7  }
0x75: {  	[tilespmem:v1+s1+$0x0] =	vst.idx.add.f32.msk $0xffff, v0  }
0x76: {  	v1 =	vld [tilespmem:$0x9D40];
	_ =	sdelay $0x7  }
0x77: {  	[tilespmem:v1+s1+$0x0] =	vst.idx.add.f32.msk $0xffff, v0  }
0x78: {  	v1 =	vld [tilespmem:$0x9D50];
	_ =	sdelay $0x7  }
0x79: {  	[tilespmem:v1+s1+$0x0] =	vst.idx.add.f32.msk $0xffff, v0  }
0x7a: {  	v1 =	vld [tilespmem:$0x9D60];
	_ =	sdelay $0x7  }
0x7b: {  	[tilespmem:v1+s1+$0x0] =	vst.idx.add.f32.msk $0xffff, v0  }
0x7c: {  	v1 =	vld [tilespmem:$0x9D70];
	_ =	sdelay $0x7  }
0x7d: {  	[tilespmem:v1+s1+$0x0] =	vst.idx.add.f32.msk $0xffff, v0  }
0x7e: {  	[tilespmem:s24], [sflag:$0x1] =	stream.indirect.gather [hbm4b:s2+s23], $0x40, s29, s23, $0xb8;
	[tilespmem:$0x1AD80] =	vst v63  }
0x7f: {  	_ =	swait.ge [sflag:s28], $0x2000  }
0x80: {  	[sflag:s28] =	ssyncset.done $0x0  }
0x81: {  	s7 =	simm.s32 $0x9D80;
	[sflag:s28] =	ssyncadd.s32 $0xFFFFE000  }
0x82: {  	[spmem:s3] =	stream.indirect.scatter.add.f32 [tilespmem:s25], [sflag:$0x3], $0x40, s7, s23, $0xb8;
	[tilespmem:$0x1AD80] =	vst v63  }
0x83: {  	_ =	swait.ge [sflag:s18], $0x2000  }
0x84: {  	[sflag:s18] =	ssyncset.done $0x0  }
0x85: {  	[sflag:s18] =	ssyncadd.s32 $0xFFFFE000  }
0x86: {  	v1 =	vld [tilespmem:$0x9D80];
	_ =	sdelay $0x7  }
0x87: {  	[tilespmem:v1+s1+$0x0] =	vst.idx.add.f32.msk $0xffff, v0  }
0x88: {  	v1 =	vld [tilespmem:$0x9D90];
	_ =	sdelay $0x7  }
0x89: {  	[tilespmem:v1+s1+$0x0] =	vst.idx.add.f32.msk $0xffff, v0  }
0x8a: {  	v1 =	vld [tilespmem:$0x9DA0];
	_ =	sdelay $0x7  }
0x8b: {  	[tilespmem:v1+s1+$0x0] =	vst.idx.add.f32.msk $0xffff, v0  }
0x8c: {  	v1 =	vld [tilespmem:$0x9DB0];
	_ =	sdelay $0x7  }
0x8d: {  	[tilespmem:v1+s1+$0x0] =	vst.idx.add.f32.msk $0xffff, v0  }
0x8e: {  	v1 =	vld [tilespmem:$0x9DC0];
	_ =	sdelay $0x7  }
0x8f: {  	[tilespmem:v1+s1+$0x0] =	vst.idx.add.f32.msk $0xffff, v0  }
0x90: {  	v1 =	vld [tilespmem:$0x9DD0];
	_ =	sdelay $0x7  }
0x91: {  	[tilespmem:v1+s1+$0x0] =	vst.idx.add.f32.msk $0xffff, v0  }
0x92: {  	v1 =	vld [tilespmem:$0x9DE0];
	_ =	sdelay $0x7  }
0x93: {  	[tilespmem:v1+s1+$0x0] =	vst.idx.add.f32.msk $0xffff, v0  }
0x94: {  	v1 =	vld [tilespmem:$0x9DF0];
	_ =	sdelay $0x7  }
0x95: {  	[tilespmem:v1+s1+$0x0] =	vst.idx.add.f32.msk $0xffff, v0  }
0x96: {  	_ =	swait.ge [sflag:s26], $0x2000  }
0x97: {  	[sflag:s26] =	ssyncset.done $0x0  }
0x98: {  	[sflag:s26] =	ssyncadd.s32 $0xFFFFE000  }
0x99: {  	[spmem:s4] =	stream.indirect.scatter.add.f32 [tilespmem:s1], [sflag:$0x3], $0x10, s22, s23, $0xb8;
	[tilespmem:$0x1AD80] =	vst v63  }
0x9a: {  	_ =	swait.ge [sflag:s18], $0x800  }
0x9b: {  	[sflag:s18] =	ssyncset.done $0x0  }
0x9c: {  	s21 =	simm.s32 $0x10900;
	s7 =	simm.s32 $0xE600;
	[sflag:s18] =	ssyncadd.s32 $0xFFFFF800  }
0x9d: {  	[spmem:s4] =	stream.indirect.scatter.add.f32 [tilespmem:s7], [sflag:$0x3], $0x10, s21, s23, $0xb8;
	[tilespmem:$0x1AD80] =	vst v63  }
0x9e: {  	_ =	swait.ge [sflag:s18], $0x800  }
0x9f: {  	[sflag:s18] =	ssyncset.done $0x0  }
0xa0: {  	s7 =	simm.s32 $0x10980;
	s21 =	simm.s32 $0xEE00;
	[sflag:s18] =	ssyncadd.s32 $0xFFFFF800  }
0xa1: {  	[spmem:s4] =	stream.indirect.scatter.add.f32 [tilespmem:s21], [sflag:$0x3], $0x10, s7, s23, $0xb8;
	[tilespmem:$0x1AD80] =	vst v63  }
0xa2: {  	_ =	swait.ge [sflag:s18], $0x800  }
0xa3: {  	[sflag:s18] =	ssyncset.done $0x0  }
0xa4: {  	s7 =	simm.s32 $0x10A00;
	s21 =	simm.s32 $0xF600;
	[sflag:s18] =	ssyncadd.s32 $0xFFFFF800  }
0xa5: {  	[spmem:s4] =	stream.indirect.scatter.add.f32 [tilespmem:s21], [sflag:$0x3], $0x10, s7, s23, $0xb8;
	[tilespmem:$0x1AD80] =	vst v63  }
0xa6: {  	_ =	swait.ge [sflag:s18], $0x800  }
0xa7: {  	[sflag:s18] =	ssyncset.done $0x0  }
0xa8: {  	s7 =	simm.s32 $0x10A80;
	s21 =	simm.s32 $0xFE00;
	[sflag:s18] =	ssyncadd.s32 $0xFFFFF800  }
0xa9: {  	[spmem:s4] =	stream.indirect.scatter.add.f32 [tilespmem:s21], [sflag:$0x3], $0x10, s7, s23, $0xb8;
	[tilespmem:$0x1AD80] =	vst v63  }
0xaa: {  	_ =	swait.ge [sflag:s18], $0x800  }
0xab: {  	[sflag:s18] =	ssyncset.done $0x0  }
0xac: {  	s7 =	simm.s32 $0x0;
	[sflag:s18] =	ssyncadd.s32 $0xFFFFF800  }
0xad: {  	v1 =	vmov s7;
	s0 =	sand.u32 $0xFFFFFFF0, s7;
	[bflag:$0x0] =	sbarrier.arrive $0xFFFF  }
0xae: {  	v1 =	vand.u32 $0xF, v1;
	[hbm:s14], [sflag:s9] =	dma.local [spmem:s17], $0x1400  }
0xaf: {  	v1 =	vor.u32 s0, v1;
	_ =	swait.ge [sflag:s18], $0x1400  }
0xb0: {  	v1 =	vbroadcast v1, $0x0;
	[sflag:s18] =	ssyncset.done $0x0  }
0xb1: {  	s21 =	simm.s32 $0x1;
	[sflag:s18] =	ssyncadd.s32 $0xFFFFEC00  }
0xb2: {  	[tilespmem:s30], [sflag:$0x3] =	stream.linear.gather [spmem:s10], $0x280, $0x38;
	[tilespmem:$0x1AD80] =	vst v63  }
0xb3: {  	v2 =	vmov s21;
	_ =	swait.ge [sflag:s18], $0x280  }
0xb4: {  	s21 =	sand.u32 $0xFFFFFFF0, s21;
	v2 =	vand.u32 $0xF, v2;
	[sflag:s18] =	ssyncset.done $0x0  }
0xb5: {  	v3 =	vor.u32 s21, v2;
	[sflag:s18] =	ssyncadd.s32 $0xFFFFFD80  }
0xb6: {  	v2 =	vld.idx.msk [tilespmem:v1+s30+$0x0], $0xffff;
	v1 =	vbroadcast v3, $0x0;
	_ =	sdelay $0x2  }
0xb7: {  	s0 =	simm.s32 $0x2  }
0xb8: {  	s21 =	simm.s32 $0x3;
	v3 =	vmov s0  }
.LBB2_4:
0xb9: {  	p0 =	sne.s32 s21, $0x27F;
	s7 =	sand.u32 $0xFFFFFFF0, s0;
	v3 =	vand.u32 $0xF, v3;
	[tilespmem:s1+$0x0] =	vst v2;
	s0 =	smov.u32 s21  }
0xba: {  	v3 =	vor.u32 s7, v3;
	v2 =	vld.idx.msk [tilespmem:v1+s30+$0x0], $0xffff  }
.Ltmp1:
0xbb: {  	v1 =	vbroadcast v3, $0x0;
	(pc) =	sbr.rel @p0 .LBB2_4-.Ltmp1, $2  }
0xbc: {  	_ =	sdelay $0x2  }
0xbd: {  	s21 =	sadd.s32 $0x1, s21;
	s1 =	sadd.s32 $0x10, s1;
	v3 =	vmov s0  }
0xbe: {  	_ =	sdelay $0x1  }
0xbf: {  	s0 =	sand.u32 $0xFFFFFFF0, s0;
	v3 =	vand.u32 $0xF, v3  }
0xc0: {  	[tilespmem:s1+$0x0] =	vst v2;
	v2 =	vor.u32 s0, v3  }
0xc1: {  	v1 =	vld.idx.msk [tilespmem:v1+s30+$0x0], $0xffff;
	v2 =	vbroadcast v2, $0x0;
	_ =	sdelay $0x3  }
0xc2: {  	s21 =	sadd.s32 $0x10, s1  }
0xc3: {  	[tilespmem:s21+$0x0] =	vst v1  }
0xc4: {  	v1 =	vld.idx.msk [tilespmem:v2+s30+$0x0], $0xffff;
	_ =	sdelay $0x2  }
0xc5: {  	s31 =	sadd.s32 $0x1, s31  }
0xc6: {  	s0 =	sadd.s32 $0x10, s21;
	p0 =	sne.s32 s31, s16  }
.Ltmp2:
0xc7: {  	[tilespmem:s0+$0x0] =	vst v1;
	(pc) =	sbr.rel @p0 .LBB2_1-.Ltmp2, $4  }
0xc8: {  	[hbm4b:s15+s5] =	stream.linear.scatter [tilespmem:s20], [sflag:$0x3], $0x2800, $0x38;
	[tilespmem:$0x1AD80] =	vst v63  }
0xc9: {  	_ =	swait.ge [sflag:s18], $0x2800  }
0xca: {  	[sflag:s18] =	ssyncset.done $0x0  }
0xcb: {  	[sflag:s18] =	ssyncadd.s32 $0xFFFFD800  }
0xcc: {  	_ =	sfence.sel $0x180000  }
0xcd: {  	[bflag:$0x0] =	sbarrier.arrive $0xFFFF  }
0xce: {  	_ =	strace $0x90000047  }
0xcf: {  	s0 =	stileid.u32;
	[bflag:$0x2] =	sbarrier.arrive $0xFFFF  }
0xd0: {  	p0 =	sne.s32 s0, $0x0;
	s0 =	rddreg [dreg:$0x4]  }
0xd1: {  	s0 =	sadd.s32 @!p0 $0x100000, s0  }
0xd2: {  	[sflag:s0] =	ssyncadd.tile.s32 @!p0 $0x1;
	_ =	shalt  }
.Lfunc_end2:
_tile_overlayer_lowered:
.L_overlay_start_2:
0xd3: {  	(tag) =	ssettag $0x2  }
0xd4: {  	s0 =	rddreg [dreg:$0x0];
	s2 =	stileid.u32  }
0xd5: {  	s1 =	rddreg [dreg:$0x1];
	p0 =	sne.s32 s2, $0x0  }
0xd6: {  	s3 =	rddreg [dreg:$0x2];
	[bflag:$0x3] =	sbarrier.arrive $0xFFFF;
	s2 =	simm.s32 @!p0 $0x1C03  }
0xd7: {  	[timem:s3], [sflag:s2] =	dma.local @!p0 [hbm:s0], s1  }
0xd8: {  	s0 =	simm.s32 @!p0 $0x3  }
0xd9: {  	_ =	swait.ge @!p0 [sflag:s0], s1  }
0xda: {  	s1 =	ssub.s32 @!p0 $0x0, s1;
	[sflag:s0] =	ssyncset.done @!p0 $0x0  }
0xdb: {  	[sflag:s0] =	ssyncadd.s32 @!p0 s1  }
0xdc: {  	[bflag:$0x3] =	sbarrier.arrive $0xFFFF  }
0xdd: {  	_ =	shalt  }

// kernel: kernel.8.cloned.1.call-start
scs
__scs_entry_jumppad:
0x0: {  	(pc) =	sbr.rel $0x88, $3  }
0x1: {  	(tag) =	ssettag $0x0;
	lr =	simm.s32 $0x1  }
0x2: {  	[smem:$0x3F9C] =	sst lr;
	_ =	strace $0xD0000000  }
0x3: {  	_ = 	snop  }
0x4: {  	_ = 	snop  }
0x5: {  	_ = 	snop  }
0x6: {  	_ = 	snop  }
0x7: {  	_ = 	snop  }
__scs_overlays_trampoline_lowered:
0x8: {  	[smem:$0x3FAB] =	sst s0  }
0x9: {  	[smem:$0x3FAC] =	sst s1  }
0xa: {  	[smem:$0x3FAD] =	sst s2  }
0xb: {  	[smem:$0x3FAE] =	sst s3  }
0xc: {  	[smem:$0x3FAF] =	sst s4  }
0xd: {  	[smem:$0x3FB0] =	sst s5  }
0xe: {  	[smem:$0x3FB1] =	sst s6  }
0xf: {  	[smem:$0x3FB2] =	sst s7  }
0x10: {  	[smem:$0x3FB3] =	sst s8  }
0x11: {  	[smem:$0x3FB4] =	sst s9;
	s0 =	simm.s32 @!p0 $0x0  }
0x12: {  	s1 =	sld [smem:$0x3F9A];
	s0 =	simm.s32 @p0 $0x1  }
0x13: {  	[smem:$0x3FB5] =	sst s0;
	s0 =	simm.s32 @!p1 $0x0  }
0x14: {  	s2 =	sld [smem:$0x3F99];
	s0 =	simm.s32 @p1 $0x1  }
0x15: {  	[smem:$0x3FB6] =	sst s0;
	s0 =	simm.s32 @!p2 $0x0  }
0x16: {  	s3 =	sld [smem:$0x3FDB];
	s0 =	simm.s32 @p2 $0x1  }
0x17: {  	s4 =	simm.s32 $0x1BF5;
	[smem:$0x3FB8] =	sst s0  }
0x18: {  	s0 =	sld [smem:$0x3F9B];
	_ =	swait.ge [sflag:s4], $0x0  }
0x19: {  	s7 =	sld [smem:$0x3F9C]  }
0x1a: {  	s8 =	sadd.s32 $0xFFFFE003, lr  }
0x1b: {  	s9 =	sadd.s32 $0xFFFFFEF7, lr;
	s5 =	simm.s32 $0xFFFFFFFF;
	p2 =	slt.u32 s8, $0xFFFFF086  }
0x1c: {  	p1 =	slt.u32 s9, $0xF7A;
	s5 =	simm.s32 @!p2 $0x0  }
0x1d: {  	s5 =	simm.s32 @p1 $0x1;
	p0 =	seq.s32 s7, s2  }
0x1e: {  	s7 =	smul.u32 @!p0 $0xF7A, s2;
	p2 =	seq.s32 @!p0 s5, $0x0  }
0x1f: {  	s9 =	smul.u32 $0xF7A, s1;
	s8 =	simm.s32 @!p0 $0x1BF5;
	p2 =	por !p2, p0  }
0x20: {  	[sflag:s8] =	ssyncset.s32 @!p0 $0xFFFFF086;
	s6 =	sadd.s32 @!p0 s3, s7;
	s7 =	simm.s32 @!p0 $0x108  }
0x21: {  	s3 =	sadd.s32 s3, s9;
	s6 =	sadd.s32 @!p0 $0x88, s6;
	s7 =	simm.s32 @p2 $0x1082  }
0x22: {  	[simem:s7], [sflag:s8] =	dma.local @!p0 [hbm:s6], $0xF7A  }
0x23: {  	s9 =	sor.u32 $0xD0000000, s2;
	s6 =	simm.s32 $0x108;
	_ =	swait.ge @!p0 [sflag:s8], $0x0  }
0x24: {  	s3 =	sadd.s32 $0x88, s3;
	s6 =	simm.s32 @!p1 $0x1082;
	[sflag:s4] =	ssyncset.s32 $0xFFFFF086  }
0x25: {  	[simem:s6], [sflag:s4] =	dma.local [hbm:s3], $0xF7A  }
0x26: {  	[smem:$0x3F9C] =	sst s1;
	(tag) =	ssettag s2;
	_ =	strace s9  }
0x27: {  	s1 =	sld [smem:$0x3FAC]  }
0x28: {  	s2 =	sld [smem:$0x3FAD]  }
0x29: {  	s4 =	sld [smem:$0x3FAF]  }
0x2a: {  	p0 =	seq.s32 s5, $0x0;
	s5 =	sld [smem:$0x3FB0]  }
0x2b: {  	s6 =	sld [smem:$0x3FB1]  }
0x2c: {  	s7 =	sld [smem:$0x3FB2]  }
0x2d: {  	s3 =	simm.s32 $0x108;
	s8 =	sld [smem:$0x3FB3]  }
0x2e: {  	s3 =	simm.s32 @!p0 $0x1082;
	s9 =	sld [smem:$0x3FB4]  }
0x2f: {  	lr =	sadd.s32 s0, s3;
	s0 =	sld [smem:$0x3FAB]  }
0x30: {  	s3 =	sld [smem:$0x3FAE]  }
0x31: {  	[smem:$0x3FB7] =	sst s10  }
0x32: {  	s10 =	sld [smem:$0x3FB5];
	_ =	sdelay $0x3  }
0x33: {  	p0 =	seq.s32 s10, $0x1;
	s10 =	sld [smem:$0x3FB7];
	_ =	sdelay $0x3  }
0x34: {  	[smem:$0x3FB7] =	sst s10  }
0x35: {  	s10 =	sld [smem:$0x3FB6];
	_ =	sdelay $0x3  }
0x36: {  	p1 =	seq.s32 s10, $0x1;
	s10 =	sld [smem:$0x3FB7];
	_ =	sdelay $0x3  }
0x37: {  	[smem:$0x3FB7] =	sst s10  }
0x38: {  	s10 =	sld [smem:$0x3FB8]  }
0x39: {  	_ = 	snop;
	(pc) =	sbr.ind lr, $3  }
0x3a: {  	_ = 	snop  }
0x3b: {  	_ = 	snop  }
0x3c: {  	p2 =	seq.s32 s10, $0x1;
	s10 =	sld [smem:$0x3FB7]  }
0x3d: {  	_ =	shalt  }
0x3e: {  	_ =	shalt  }
0x3f: {  	_ =	shalt  }
0x40: {  	_ =	shalt  }
0x41: {  	_ =	shalt  }
0x42: {  	_ =	shalt  }
0x43: {  	_ =	shalt  }
0x44: {  	_ =	shalt  }
0x45: {  	_ =	shalt  }
0x46: {  	_ =	shalt  }
0x47: {  	_ =	shalt  }
0x48: {  	_ =	shalt  }
0x49: {  	_ =	shalt  }
0x4a: {  	_ =	shalt  }
0x4b: {  	_ =	shalt  }
0x4c: {  	_ =	shalt  }
0x4d: {  	_ =	shalt  }
0x4e: {  	_ =	shalt  }
0x4f: {  	_ =	shalt  }
0x50: {  	_ =	shalt  }
0x51: {  	_ =	shalt  }
0x52: {  	_ =	shalt  }
0x53: {  	_ =	shalt  }
0x54: {  	_ =	shalt  }
0x55: {  	_ =	shalt  }
0x56: {  	_ =	shalt  }
0x57: {  	_ =	shalt  }
0x58: {  	_ =	shalt  }
0x59: {  	_ =	shalt  }
0x5a: {  	_ =	shalt  }
0x5b: {  	_ =	shalt  }
0x5c: {  	_ =	shalt  }
0x5d: {  	_ =	shalt  }
0x5e: {  	_ =	shalt  }
0x5f: {  	_ =	shalt  }
0x60: {  	_ =	shalt  }
0x61: {  	_ =	shalt  }
0x62: {  	_ =	shalt  }
0x63: {  	_ =	shalt  }
0x64: {  	_ =	shalt  }
0x65: {  	_ =	shalt  }
0x66: {  	_ =	shalt  }
0x67: {  	_ =	shalt  }
0x68: {  	_ =	shalt  }
0x69: {  	_ =	shalt  }
0x6a: {  	_ =	shalt  }
0x6b: {  	_ =	shalt  }
0x6c: {  	_ =	shalt  }
0x6d: {  	_ =	shalt  }
0x6e: {  	_ =	shalt  }
0x6f: {  	_ =	shalt  }
0x70: {  	_ =	shalt  }
0x71: {  	_ =	shalt  }
0x72: {  	_ =	shalt  }
0x73: {  	_ =	shalt  }
0x74: {  	_ =	shalt  }
0x75: {  	_ =	shalt  }
0x76: {  	_ =	shalt  }
0x77: {  	_ =	shalt  }
0x78: {  	_ =	shalt  }
0x79: {  	_ =	shalt  }
0x7a: {  	_ =	shalt  }
0x7b: {  	_ =	shalt  }
0x7c: {  	_ =	shalt  }
0x7d: {  	_ =	shalt  }
0x7e: {  	_ =	shalt  }
0x7f: {  	_ =	shalt  }
0x80: {  	_ =	shalt  }
0x81: {  	_ =	shalt  }
0x82: {  	_ =	shalt  }
0x83: {  	_ =	shalt  }
0x84: {  	_ =	shalt  }
0x85: {  	_ =	shalt  }
0x86: {  	_ =	shalt  }
0x87: {  	_ =	shalt  }
.Lfunc_end0:
.L_simem_size_0:
called_computation.1_lowered:
.L_overlay_start_0:
0x88: {  	s2 =	sld [smem:$0x3FD9]  }
0x89: {  	s3 =	sld [smem:$0x3FFE];
	_ =	sdelay $0x1  }
0x8a: {  	s1 =	srdreg.scid  }
0x8b: {  	s0 =	sand.u32 $0x1, s1  }
0x8c: {  	s17 =	sshll.u32 s0, $0xA;
	s2 =	sadd.s32 s3, s2  }
0x8d: {  	s2 =	sadd.s32 s2, s17  }
0x8e: {  	[smem:$0x3FC3] =	sst s2  }
0x8f: {  	_ = 	snop  }
0x90: {  	s2 =	sld [smem:$0x3FC7];
	(tm) =	ssettm $0x1  }
0x91: {  	s18 =	sld [smem:$0x3FFB];
	_ =	sdelay $0x3  }
0x92: {  	_ =	strace s18  }
0x93: {  	s3 =	sld [smem:$0x3FFC];
	_ =	sdelay $0x3  }
0x94: {  	_ =	strace s3  }
0x95: {  	s3 =	sld [smem:$0x3FFD];
	_ =	sdelay $0x3  }
0x96: {  	_ =	strace s3  }
0x97: {  	_ =	strace $0x8FFFFFFF  }
0x98: {  	s19 =	sld [smem:$0x3FDB];
	_ =	sdelay $0x1  }
0x99: {  	s4 =	simm.s32 $_scs_section_size  }
0x9a: {  	s5 =	simm.s32 $_size__tile_overlayer_lowered;
	s6 =	simm.s32 $_tile_overlayer_lowered  }
0x9b: {  	s22 =	simm.s32 $0x1BFF;
	s21 =	sshll.u32 s6, $0x1;
	s3 =	sadd.s32 s4, s19  }
0x9c: {  	s7 =	simm.s32 $0x0;
	s20 =	sshll.u32 s5, $0x1;
	s5 =	sadd.s32 s21, s3  }
0x9d: {  	[timem:s7], [sflag:s22] =	dma.local [hbm:s5], s20  }
0x9e: {  	_ =	swait.ge [sflag:s22], s20  }
0x9f: {  	s4 =	ssub.s32 $0x0, s20;
	[sflag:s22] =	ssyncset.done $0x0  }
0xa0: {  	[sflag:s22] =	ssyncadd.s32 s4;
	_ =	sdelay $0x1  }
0xa1: {  	s23 =	simm.s32 $0x1B8B  }
0xa2: {  	_ =	swait.ge [sflag:s23], $0x1  }
0xa3: {  	[sflag:s23] =	ssyncset.done $0x0  }
0xa4: {  	s25 =	simm.s32 $0x1B8E;
	s24 =	sld [smem:$0x3FFE];
	[sflag:s23] =	ssyncadd.s32 $0xFFFFFFFF  }
0xa5: {  	s26 =	simm.s32 $execute0_lowered;
	[smem:$0x3FD2] =	sst s25  }
0xa6: {  	s5 =	sshll.u32 s26, $0x1;
	_ =	strace $0x80000049;
	[dreg:$0x1] =	wrdreg $0xFFFFFFFF  }
0xa7: {  	s28 =	simm.s32 $_size_execute0_lowered;
	s3 =	sadd.s32 s3, s5;
	[dreg:$0x0] =	wrdreg $0x0  }
0xa8: {  	s5 =	sshll.u32 s28, $0x1;
	[dreg:$0x2] =	wrdreg s3  }
0xa9: {  	[dreg:$0x3] =	wrdreg s5  }
0xaa: {  	[dreg:$0x4] =	wrdreg $0xC0  }
0xab: {  	_ =	task [dreg:s7], $0x5FFFF  }
0xac: {  	[dreg:$0x1] =	wrdreg $0xFFFFFFFF  }
0xad: {  	[dreg:$0x0] =	wrdreg $0x60  }
0xae: {  	[dreg:$0x2] =	wrdreg s24  }
0xaf: {  	[dreg:$0x3] =	wrdreg s2  }
0xb0: {  	[dreg:$0x4] =	wrdreg $0x9  }
0xb1: {  	_ =	task.clear_ibuf [dreg:s7], $0x5FFFF;
	_ =	strace $0x90000049  }
0xb2: {  	s29 =	simm.s32 $0x9;
	_ =	strace $0x8000004B  }
0xb3: {  	_ =	swait.ge [sflag:s29], $0x1  }
0xb4: {  	[sflag:s29] =	ssyncadd.s32 $0xFFFFFFFF  }
0xb5: {  	_ =	strace $0x9000004B  }
0xb6: {  	_ =	sfence  }
0xb7: {  	s30 =	sld [smem:$0x0];
	_ =	sdelay $0x2  }
0xb8: {  	s31 =	sshll.u32 s1, $0xD;
	s1 =	sshrl.u32 s1, $0x2  }
0xb9: {  	s3 =	sand.u32 $0x4000, s31;
	s1 =	sadd.s32 s1, s30  }
0xba: {  	s0 =	sor.u32 s3, s0;
	s1 =	sshll.u32 s1, $0x11  }
0xbb: {  	s0 =	sor.u32 s1, s0  }
0xbc: {  	s0 =	sadd.s32 $0x8F2B, s0  }
0xbd: {  	[sflag:s0] =	ssyncadd.remote.s32 $0x1  }
0xbe: {  	_ =	sfence.sel $0xFFFF  }
0xbf: {  	[dreg:$0x0] =	wrdreg $0xFFFFFFFF;
	(pc) =	sbr.abs _section_cstart, $3  }
0xc0: {  	[dreg:$0x1] =	wrdreg $0xFFFFFFFF  }
0xc1: {  	_ =	task.clear_ibuf [dreg:s7], $0x2FFFF;
	_ =	strace $0x9FFFFFFF  }
0xc2: {  	(tm) =	ssettm $0x7FFFFFFF  }
0xc3: {  	_ =	shalt  }
tec
execute0_lowered:
.L_overlay_start_1:
0x0: {  	(tag) =	ssettag $0x1  }
0x1: {  	s1 =	srdreg.scid;
	s8 =	rddreg [dreg:$0x0]  }
0x2: {  	s0 =	stileid.u32;
	s2 =	rddreg [dreg:$0x1];
	s3 =	simm.s32 $0x0  }
0x3: {  	s12 =	simm.s32 $0x50;
	s13 =	simm.s32 $0x190;
	s14 =	simm.s32 $0x2990  }
0x4: {  	s15 =	simm.s32 $0x140;
	s16 =	simm.s32 $0x3D90;
	s17 =	simm.s32 $0x1  }
0x5: {  	s18 =	simm.s32 $0x5690;
	s5 =	sand.u32 $0x1, s1;
	s31 =	sshll.u32 s0, $0x1  }
0x6: {  	s19 =	simm.s32 $0x0;
	s1 =	rddreg [dreg:$0x2];
	s4 =	sor.u32 s5, s31  }
0x7: {  	[smem:$0x7FF] =	sst s3;
	s9 =	ssub.s32 $0x2, s5;
	s4 =	smul.u32 $0x140, s4  }
0x8: {  	s7 =	sadd.s32 $0x1C00, s8;
	_ =	strace $0x8000004A;
	s11 =	sshrl.u32 s9, $0x1  }
0x9: {  	s5 =	sadd.s32 $0x33E00, s8;
	s11 =	ssub.s32 s9, s11;
	s6 =	sshrl.u32 s4, $0x3  }
0xa: {  	s10 =	sadd.s32 s6, s8;
	s6 =	sadd.s32 $0x5BE00, s8;
	s8 =	sadd.s32 $0x61400, s8  }
0xb: {  	s9 =	sadd.s32 $0x60E00, s10;
	s10 =	smax.u32 s11, $0x1;
	s11 =	simm.s32 $0x2  }
.LBB2_1:
0xc: {  	[tilespmem:s3], [sflag:$0x2] =	stream.linear.gather [hbm4b:s9+s3], $0x140, $0x38;
	[tilespmem:$0x7E90] =	vst v63  }
0xd: {  	_ =	swait.ge [sflag:s11], $0x140  }
0xe: {  	[sflag:s11] =	ssyncset.done $0x0  }
0xf: {  	s20 =	simm.s32 $0x0;
	[sflag:s11] =	ssyncadd.s32 $0xFFFFFEC0  }
.LBB2_2:
0x10: {  	s21 =	smul.u32 $0x140, s20;
	_ =	sdelay $0x1  }
0x11: {  	s21 =	sshra.s32 s21, $0x2  }
0x12: {  	v0 =	vld [tilespmem:s21+$0x0];
	_ =	sdelay $0x4  }
0x13: {  	v0 =	vadd.s32 $0x2800, v0  }
0x14: {  	[tilespmem:$0x140] =	vst v0  }
0x15: {  	v0 =	vld [tilespmem:s21+$0x10];
	_ =	sdelay $0x4  }
0x16: {  	v0 =	vadd.s32 $0x2800, v0  }
0x17: {  	[tilespmem:$0x150] =	vst v0  }
0x18: {  	v0 =	vld [tilespmem:s21+$0x20];
	_ =	sdelay $0x4  }
0x19: {  	v0 =	vadd.s32 $0x2800, v0  }
0x1a: {  	[tilespmem:$0x160] =	vst v0  }
0x1b: {  	v0 =	vld [tilespmem:s21+$0x30];
	_ =	sdelay $0x4  }
0x1c: {  	v0 =	vadd.s32 $0x2800, v0  }
0x1d: {  	[tilespmem:$0x170] =	vst v0  }
0x1e: {  	v0 =	vld [tilespmem:s21+$0x40];
	_ =	sdelay $0x4  }
0x1f: {  	s21 =	smul.u32 $0x50, s20;
	v0 =	vadd.s32 $0x2800, v0  }
0x20: {  	[tilespmem:$0x180] =	vst v0  }
0x21: {  	[tilespmem:s13], [sflag:$0x1] =	stream.indirect.gather [hbm4b:s2+s12], $0x80, s21, s12, $0xb8;
	[tilespmem:$0x7E90] =	vst v63  }
0x22: {  	_ = 	snop  }
0x23: {  	[tilespmem:s14], [sflag:$0x1] =	stream.indirect.gather [hbm4b:s5+s12], $0x40, s21, s12, $0xb8;
	[tilespmem:$0x7E90] =	vst v63  }
0x24: {  	_ = 	snop  }
0x25: {  	[tilespmem:s16], [sflag:$0x1] =	stream.indirect.gather [hbm4b:s5+s12], $0x40, s15, s12, $0xb8;
	[tilespmem:$0x7E90] =	vst v63  }
0x26: {  	s22 =	simm.s32 $0x5190  }
0x27: {  	[tilespmem:s22], [sflag:$0x1] =	stream.indirect.gather [hbm4b:s6+s12], $0x10, s21, s12, $0xb8;
	[tilespmem:$0x7E90] =	vst v63  }
0x28: {  	_ =	swait.ge [sflag:s17], $0x2800  }
0x29: {  	[sflag:s17] =	ssyncset.done $0x0  }
0x2a: {  	[sflag:s17] =	ssyncadd.s32 $0xFFFFD800  }
0x2b: {  	_ =	swait.ge [sflag:s17], $0x1400  }
0x2c: {  	[sflag:s17] =	ssyncset.done $0x0  }
0x2d: {  	[sflag:s17] =	ssyncadd.s32 $0xFFFFEC00  }
0x2e: {  	_ =	swait.ge [sflag:s17], $0x1400  }
0x2f: {  	[sflag:s17] =	ssyncset.done $0x0  }
0x30: {  	[sflag:s17] =	ssyncadd.s32 $0xFFFFEC00  }
0x31: {  	_ =	swait.ge [sflag:s17], $0x500  }
0x32: {  	[sflag:s17] =	ssyncset.done $0x0  }
0x33: {  	[sflag:s17] =	ssyncadd.s32 $0xFFFFFB00  }
0x34: {  	v0 =	vld [tilespmem:s22+$0x0];
	_ =	sdelay $0x4  }
0x35: {  	v0 =	vmax.f32 v0, $1.000000000e+00  }
0x36: {  	(erf) = vrcp.f32 v0;
	_ =	sdelay $0x3  }
0x37: {  	s23 =	simm.s32 $0x0  }
0x38: {  	v0 =	vld [tilespmem:s23+$0x2990];
	_ =	sdelay $0x3  }
0x39: {  	v1 =	vpop (erf)  }
0x3a: {  	v0 =	vmul.f32 v0, v1  }
0x3b: {  	s22 =	simm.s32 $0x56D0  }
0x3c: {  	[tilespmem:s22+$0xFFFFFFC0] =	vst v0  }
0x3d: {  	v0 =	vld [tilespmem:s23+$0x3D90];
	_ =	sdelay $0x4  }
0x3e: {  	v0 =	vmul.f32 v0, v1;
	_ =	sdelay $0x1  }
0x3f: {  	[tilespmem:s22+$0x0] =	vst v0  }
0x40: {  	v0 =	vld [tilespmem:s23+$0x29A0];
	_ =	sdelay $0x4  }
0x41: {  	v0 =	vmul.f32 v0, v1;
	_ =	sdelay $0x1  }
0x42: {  	[tilespmem:s22+$0xFFFFFFD0] =	vst v0  }
0x43: {  	v0 =	vld [tilespmem:s23+$0x3DA0];
	_ =	sdelay $0x4  }
0x44: {  	v0 =	vmul.f32 v0, v1;
	_ =	sdelay $0x1  }
0x45: {  	[tilespmem:s22+$0x10] =	vst v0  }
0x46: {  	v0 =	vld [tilespmem:s23+$0x29B0];
	_ =	sdelay $0x4  }
0x47: {  	v0 =	vmul.f32 v0, v1;
	_ =	sdelay $0x1  }
0x48: {  	[tilespmem:s22+$0xFFFFFFE0] =	vst v0  }
0x49: {  	v0 =	vld [tilespmem:s23+$0x3DB0];
	_ =	sdelay $0x4  }
0x4a: {  	v0 =	vmul.f32 v0, v1;
	_ =	sdelay $0x1  }
0x4b: {  	[tilespmem:s22+$0x20] =	vst v0  }
0x4c: {  	v0 =	vld [tilespmem:s23+$0x29C0];
	_ =	sdelay $0x4  }
0x4d: {  	v0 =	vmul.f32 v0, v1;
	_ =	sdelay $0x1  }
0x4e: {  	[tilespmem:s22+$0xFFFFFFF0] =	vst v0  }
0x4f: {  	v0 =	vld [tilespmem:s23+$0x3DC0];
	_ =	sdelay $0x4  }
0x50: {  	v0 =	vmul.f32 v0, v1;
	_ =	sdelay $0x1  }
0x51: {  	s24 =	simm.s32 $0x51A0;
	[tilespmem:s22+$0x30] =	vst v0  }
0x52: {  	s25 =	simm.s32 $0x200;
	s23 =	simm.s32 $0x40;
	v0 =	vld [tilespmem:s24+$0x0]  }
.LBB2_3:
0x53: {  	p0 =	sne.s32 s25, $0x4F00;
	v1 =	vld [tilespmem:s23+$0x2990];
	_ =	sdelay $0x3  }
0x54: {  	v0 =	vmax.f32 v0, $1.000000000e+00  }
0x55: {  	(erf) = vrcp.f32 v0;
	_ =	sdelay $0x8  }
0x56: {  	v0 =	vpop (erf)  }
0x57: {  	v1 =	vmul.f32 v1, v0  }
0x58: {  	s22 =	sadd.s32 $0x80, s22  }
0x59: {  	[tilespmem:s22+$0xFFFFFFC0] =	vst v1  }
0x5a: {  	v1 =	vld [tilespmem:s23+$0x3D90];
	_ =	sdelay $0x4  }
0x5b: {  	v1 =	vmul.f32 v1, v0;
	_ =	sdelay $0x1  }
0x5c: {  	[tilespmem:s22+$0x0] =	vst v1  }
0x5d: {  	v1 =	vld [tilespmem:s23+$0x29A0];
	_ =	sdelay $0x4  }
0x5e: {  	v1 =	vmul.f32 v1, v0;
	_ =	sdelay $0x1  }
0x5f: {  	[tilespmem:s22+$0xFFFFFFD0] =	vst v1  }
0x60: {  	v1 =	vld [tilespmem:s23+$0x3DA0];
	_ =	sdelay $0x4  }
0x61: {  	v1 =	vmul.f32 v1, v0;
	_ =	sdelay $0x1  }
0x62: {  	[tilespmem:s22+$0x10] =	vst v1  }
0x63: {  	v1 =	vld [tilespmem:s23+$0x29B0];
	_ =	sdelay $0x4  }
0x64: {  	v1 =	vmul.f32 v1, v0;
	_ =	sdelay $0x1  }
0x65: {  	[tilespmem:s22+$0xFFFFFFE0] =	vst v1  }
0x66: {  	v1 =	vld [tilespmem:s23+$0x3DB0];
	_ =	sdelay $0x4  }
0x67: {  	v1 =	vmul.f32 v1, v0;
	_ =	sdelay $0x1  }
0x68: {  	[tilespmem:s22+$0x20] =	vst v1  }
0x69: {  	v1 =	vld [tilespmem:s23+$0x29C0];
	_ =	sdelay $0x4  }
0x6a: {  	v1 =	vmul.f32 v1, v0;
	_ =	sdelay $0x1  }
0x6b: {  	[tilespmem:s22+$0xFFFFFFF0] =	vst v1  }
0x6c: {  	v1 =	vld [tilespmem:s23+$0x3DC0];
	_ =	sdelay $0x3  }
.Ltmp0:
0x6d: {  	(pc) =	sbr.rel @p0 .LBB2_3-.Ltmp0, $3  }
0x6e: {  	v0 =	vmul.f32 v1, v0;
	_ =	sdelay $0x1  }
0x6f: {  	s24 =	sadd.s32 $0x10, s24;
	[tilespmem:s22+$0x30] =	vst v0  }
0x70: {  	s23 =	sshra.s32 s25, $0x2;
	s25 =	sadd.s32 $0x100, s25;
	v0 =	vld [tilespmem:s24+$0x0]  }
0x71: {  	_ =	sdelay $0x3  }
0x72: {  	v0 =	vmax.f32 v0, $1.000000000e+00  }
0x73: {  	(erf) = vrcp.f32 v0;
	_ =	sdelay $0x4  }
0x74: {  	v63 =	vld [tilespmem:s23+$0x2990];
	_ =	sdelay $0x3  }
0x75: {  	v1 =	vpop (erf)  }
0x76: {  	v0 =	vmul.f32 v63, v1  }
0x77: {  	s22 =	sadd.s32 $0x80, s22  }
0x78: {  	[tilespmem:s22+$0xFFFFFFC0] =	vst v0  }
0x79: {  	v0 =	vld [tilespmem:s23+$0x3D90];
	_ =	sdelay $0x4  }
0x7a: {  	v0 =	vmul.f32 v0, v1;
	_ =	sdelay $0x1  }
0x7b: {  	[tilespmem:s22+$0x0] =	vst v0  }
0x7c: {  	v0 =	vld [tilespmem:s23+$0x29A0];
	_ =	sdelay $0x4  }
0x7d: {  	v0 =	vmul.f32 v0, v1;
	_ =	sdelay $0x1  }
0x7e: {  	[tilespmem:s22+$0xFFFFFFD0] =	vst v0  }
0x7f: {  	v0 =	vld [tilespmem:s23+$0x3DA0];
	_ =	sdelay $0x4  }
0x80: {  	v0 =	vmul.f32 v0, v1;
	_ =	sdelay $0x1  }
0x81: {  	[tilespmem:s22+$0x10] =	vst v0  }
0x82: {  	v0 =	vld [tilespmem:s23+$0x29B0];
	_ =	sdelay $0x4  }
0x83: {  	v0 =	vmul.f32 v0, v1;
	_ =	sdelay $0x1  }
0x84: {  	[tilespmem:s22+$0xFFFFFFE0] =	vst v0  }
0x85: {  	v0 =	vld [tilespmem:s23+$0x3DB0];
	_ =	sdelay $0x4  }
0x86: {  	v0 =	vmul.f32 v0, v1;
	_ =	sdelay $0x1  }
0x87: {  	[tilespmem:s22+$0x20] =	vst v0  }
0x88: {  	v0 =	vld [tilespmem:s23+$0x29C0];
	_ =	sdelay $0x4  }
0x89: {  	v0 =	vmul.f32 v0, v1;
	_ =	sdelay $0x1  }
0x8a: {  	[tilespmem:s22+$0xFFFFFFF0] =	vst v0  }
0x8b: {  	v0 =	vld [tilespmem:s23+$0x3DC0];
	_ =	sdelay $0x4  }
0x8c: {  	s21 =	sadd.s32 s4, s21;
	v0 =	vmul.f32 v0, v1  }
0x8d: {  	s21 =	sshll.u32 s21, $0x4  }
0x8e: {  	s31 =	sadd.s32 s7, s21;
	[tilespmem:s22+$0x30] =	vst v0  }
0x8f: {  	[hbm4b:s31+s3] =	stream.linear.scatter [tilespmem:s13], [sflag:$0x2], $0x2800, $0x38;
	[tilespmem:$0x7E90] =	vst v63  }
0x90: {  	s20 =	sadd.s32 $0x1, s20;
	_ =	swait.ge [sflag:s11], $0x2800  }
0x91: {  	p0 =	sne.s32 s20, $0x4;
	[sflag:s11] =	ssyncset.done $0x0  }
.Ltmp1:
0x92: {  	s21 =	sadd.s32 s8, s21;
	[sflag:s11] =	ssyncadd.s32 $0xFFFFD800;
	(pc) =	sbr.rel @p0 .LBB2_2-.Ltmp1, $4  }
0x93: {  	[hbm4b:s21+s3] =	stream.linear.scatter [tilespmem:s18], [sflag:$0x2], $0x2800, $0x38;
	[tilespmem:$0x7E90] =	vst v63  }
0x94: {  	_ =	swait.ge [sflag:s11], $0x2800  }
0x95: {  	[sflag:s11] =	ssyncset.done $0x0  }
0x96: {  	[sflag:s11] =	ssyncadd.s32 $0xFFFFD800  }
0x97: {  	s19 =	sadd.s32 $0x1, s19  }
0x98: {  	p0 =	sne.s32 s19, s10  }
.Ltmp2:
0x99: {  	_ = 	snop;
	(pc) =	sbr.rel @p0 .LBB2_1-.Ltmp2, $1  }
0x9a: {  	_ =	sdelay $0x3  }
0x9b: {  	_ =	sfence.sel $0x180000  }
0x9c: {  	[bflag:$0x0] =	sbarrier.arrive $0xFFFF  }
0x9d: {  	p0 =	sne.s32 s0, $0x0;
	_ =	strace $0x9000004A  }
0x9e: {  	s0 =	sadd.s32 @!p0 $0x100000, s1;
	[bflag:$0x2] =	sbarrier.arrive $0xFFFF  }
0x9f: {  	[sflag:s0] =	ssyncadd.tile.s32 @!p0 $0x1;
	_ =	shalt  }
.Lfunc_end2:
_tile_overlayer_lowered:
.L_overlay_start_2:
0xa0: {  	(tag) =	ssettag $0x2  }
0xa1: {  	s0 =	rddreg [dreg:$0x0];
	s2 =	stileid.u32  }
0xa2: {  	s1 =	rddreg [dreg:$0x1];
	p0 =	sne.s32 s2, $0x0  }
0xa3: {  	s3 =	rddreg [dreg:$0x2];
	[bflag:$0x3] =	sbarrier.arrive $0xFFFF;
	s2 =	simm.s32 @!p0 $0x1C02  }
0xa4: {  	[timem:s3], [sflag:s2] =	dma.local @!p0 [hbm:s0], s1  }
0xa5: {  	s0 =	simm.s32 @!p0 $0x2  }
0xa6: {  	_ =	swait.ge @!p0 [sflag:s0], s1  }
0xa7: {  	s1 =	ssub.s32 @!p0 $0x0, s1;
	[sflag:s0] =	ssyncset.done @!p0 $0x0  }
0xa8: {  	[sflag:s0] =	ssyncadd.s32 @!p0 s1  }
0xa9: {  	[bflag:$0x3] =	sbarrier.arrive $0xFFFF  }
0xaa: {  	_ =	shalt  }

</sc_bundles>
